<compile_context>
chip_gen: v7x
topology: tpu7x:2x2x1
jax: 0.10.2.dev20260603
libtpu: 0.0.44.dev20260713+nightly
codegen_flags: <defaults>
</compile_context>

<pallas_src>
import functools

import jax
import jax.numpy as jnp
from jax import lax
from jax.experimental import pallas as pl
from jax.experimental.pallas import tpu as pltpu
from jax.experimental.pallas import tpu_sc as plsc

_M = 100000
_L = 64
_S = 256
_SMALL = (8, _M // 8)

_NS = 10
_RS = _M // _NS
_KS = 4

_NW = 32
_WROWS = 3200
_CROWS = 200
_NCH = _WROWS // _CROWS


def _sc_bel_copy_body(bel_in, bel_out, b0, b1, si0, si1, so0, so1):
    cid = lax.axis_index("c")
    sid = lax.axis_index("s")
    w = sid * 2 + cid
    base = w * _WROWS
    bufs = (b0, b1)
    sin = (si0, si1)
    sout = (so0, so1)

    starts = [jnp.minimum(base + j * _CROWS, _M - _CROWS) for j in range(_NCH)]
    ins = [pltpu.make_async_copy(bel_in.at[pl.ds(starts[j], _CROWS), :],
                                 bufs[j % 2], sin[j % 2])
           for j in range(_NCH)]
    outs = [pltpu.make_async_copy(bufs[j % 2],
                                  bel_out.at[pl.ds(starts[j], _CROWS), :],
                                  sout[j % 2])
            for j in range(_NCH)]

    for j in range(_NCH):
        if j >= 2:
            outs[j - 2].wait()
        ins[j].start()
        ins[j].wait()
        outs[j].start()
    outs[_NCH - 2].wait()
    outs[_NCH - 1].wait()


_sc_bel_copy = functools.partial(
    pl.kernel,
    out_type=jax.ShapeDtypeStruct((_M, _S), jnp.float32),
    mesh=plsc.VectorSubcoreMesh(core_axis_name="c", subcore_axis_name="s"),
    scratch_types=[
        pltpu.VMEM((_CROWS, _S), jnp.float32),
        pltpu.VMEM((_CROWS, _S), jnp.float32),
        pltpu.SemaphoreType.DMA,
        pltpu.SemaphoreType.DMA,
        pltpu.SemaphoreType.DMA,
        pltpu.SemaphoreType.DMA,
    ],
    cost_estimate=pl.CostEstimate(
        flops=0, transcendentals=0,
        bytes_accessed=2 * _M * _S * 4),
)(_sc_bel_copy_body)


def _tc_main_body(scal_ref, prob_ref, row_seq, seq_in, sl_in, pr_in,
                  seq_out, sl_out, pr_out,
                  tile_seq, *scratch):
    slots_seq = list(scratch[:_KS])
    sem_si, sem_so, sem_p1 = scratch[_KS:]

    sz = scal_ref[0]
    t = pl.multiple_of((sz // 8) * 8, 8)
    r = sz - t

    seq_ins = [pltpu.make_async_copy(seq_in.at[pl.ds(c * _RS, _RS), :],
                                     slots_seq[c % _KS], sem_si.at[c % _KS])
               for c in range(_NS)]
    seq_outs = [pltpu.make_async_copy(slots_seq[c % _KS],
                                      seq_out.at[pl.ds(c * _RS, _RS), :],
                                      sem_so.at[c % _KS])
                for c in range(_NS)]

    t1 = pltpu.make_async_copy(seq_in.at[pl.ds(t, 8), :], tile_seq, sem_p1)
    t1.start()

    for c in range(_KS):
        seq_ins[c].start()

    flat = (jax.lax.broadcasted_iota(jnp.int32, _SMALL, 0) * (_M // 8)
            + jax.lax.broadcasted_iota(jnp.int32, _SMALL, 1))
    sl_out[...] = jnp.where(flat == sz, scal_ref[1], sl_in[...])
    pr_out[...] = jnp.where(flat == sz, prob_ref[0], pr_in[...])

    t1.wait()
    row0 = jax.lax.broadcasted_iota(jnp.int32, (8, _L), 0)
    tile_seq[...] = jnp.where(row0 == r, row_seq[...], tile_seq[...])

    for c in range(_NS):
        if c >= _KS:
            seq_outs[c - _KS].wait()
            seq_ins[c].start()
        seq_ins[c].wait()
        seq_outs[c].start()
    for c in range(_NS - _KS, _NS):
        seq_outs[c].wait()

    p1 = pltpu.make_async_copy(tile_seq, seq_out.at[pl.ds(t, 8), :], sem_p1)
    p1.start()
    p1.wait()


def _tc_bel_patch_body(scal_ref, row_bel, bel_io, bel_out, tile_bel, sem):
    sz = scal_ref[0]
    t = pl.multiple_of((sz // 8) * 8, 8)
    r = sz - t
    t2 = pltpu.make_async_copy(bel_io.at[pl.ds(t, 8), :], tile_bel, sem)
    t2.start()
    t2.wait()
    row1 = jax.lax.broadcasted_iota(jnp.int32, (8, _S), 0)
    tile_bel[...] = jnp.where(row1 == r, row_bel[...], tile_bel[...])
    p2 = pltpu.make_async_copy(tile_bel, bel_out.at[pl.ds(t, 8), :], sem)
    p2.start()
    p2.wait()


def kernel(sequences, sequence_lengths, belief_states, probabilities, size,
           sequence, sequence_length, belief_state, probability):
    sz = jnp.asarray(size, jnp.int32)
    scal = jnp.stack([sz, jnp.asarray(sequence_length, jnp.int32)])
    prob = jnp.reshape(jnp.asarray(probability, jnp.float32), (1,))
    row_seq = jnp.reshape(jnp.asarray(sequence, jnp.int32), (1, _L))
    row_bel = jnp.reshape(jnp.asarray(belief_state, jnp.float32), (1, _S))
    sl2 = jnp.reshape(sequence_lengths, _SMALL)
    pr2 = jnp.reshape(probabilities, _SMALL)

    smem = pl.BlockSpec(memory_space=pltpu.MemorySpace.SMEM)
    anym = pl.BlockSpec(memory_space=pltpu.MemorySpace.HBM)
    vmem = pl.BlockSpec(memory_space=pltpu.MemorySpace.VMEM)

    bel_copied = _sc_bel_copy(belief_states)

    seq_o, sl_o, pr_o = pl.pallas_call(
        _tc_main_body,
        out_shape=(
            jax.ShapeDtypeStruct((_M, _L), jnp.int32),
            jax.ShapeDtypeStruct(_SMALL, jnp.int32),
            jax.ShapeDtypeStruct(_SMALL, jnp.float32),
        ),
        in_specs=[smem, smem, vmem, anym, vmem, vmem],
        out_specs=(anym, vmem, vmem),
        scratch_shapes=([pltpu.VMEM((8, _L), jnp.int32)]
                        + [pltpu.VMEM((_RS, _L), jnp.int32)
                           for _ in range(_KS)]
                        + [pltpu.SemaphoreType.DMA((_KS,)),
                           pltpu.SemaphoreType.DMA((_KS,)),
                           pltpu.SemaphoreType.DMA]),
        cost_estimate=pl.CostEstimate(
            flops=0, transcendentals=0,
            bytes_accessed=2 * _M * (2 * _L + 8) * 4),
    )(scal, prob, row_seq, sequences, sl2, pr2)

    bel_o = pl.pallas_call(
        _tc_bel_patch_body,
        out_shape=jax.ShapeDtypeStruct((_M, _S), jnp.float32),
        in_specs=[smem, vmem, anym],
        out_specs=anym,
        input_output_aliases={2: 0},
        scratch_shapes=[pltpu.VMEM((8, _S), jnp.float32),
                        pltpu.SemaphoreType.DMA],
    )(scal, row_bel, bel_copied)

    return (seq_o, jnp.reshape(sl_o, (_M,)), bel_o, jnp.reshape(pr_o, (_M,)),
            sz + 1)

# --- scband reference (transcript-rebuilt; emitter-appended) ---
"""Pipeline reference for scband-tree-data-9199819948559 (READ-ONLY COPY).

The authoritative reference and input builder live on the scoring server;
editing this copy changes nothing except your own understanding.
"""

import jax, jax.numpy as jnp
import numpy as np

M, L, S = 100000, 64, 256

def setup_inputs(seed: int = 0) -> dict:
    key = jax.random.key(seed)
    k0, k1, k2 = jax.random.split(key, 3)
    return {
        "sequences": jnp.zeros((M, L), dtype=jnp.int32),
        "sequence_lengths": jnp.zeros((M,), dtype=jnp.int32),
        "belief_states": jnp.zeros((M, S), dtype=jnp.float32),
        "probabilities": jnp.zeros((M,), dtype=jnp.float32),
        "size": 50000,
        "sequence": jax.random.randint(k0, (L,), 0, 16, dtype=jnp.int32),
        "sequence_length": 32,
        "belief_state": jax.random.uniform(k1, (S,), dtype=jnp.float32),
        "probability": jax.random.uniform(k2, (1,), dtype=jnp.float32),
    }

def reference(sequences, sequence_lengths, belief_states, probabilities, size,
              sequence, sequence_length, belief_state, probability):
    # Faithful translation of TreeData.add(node): scatter-overwrite one row of
    # each preallocated buffer at index `size`, then increment size.
    sz = jnp.asarray(size, dtype=jnp.int32)
    prob = jnp.reshape(jnp.asarray(probability, jnp.float32), ())
    new_sequences = sequences.at[sz].set(jnp.asarray(sequence, jnp.int32))
    new_sequence_lengths = sequence_lengths.at[sz].set(jnp.asarray(sequence_length, jnp.int32))
    new_belief_states = belief_states.at[sz].set(jnp.asarray(belief_state, jnp.float32))
    new_probabilities = probabilities.at[sz].set(prob)
    new_size = sz + 1
    return (new_sequences, new_sequence_lengths, new_belief_states, new_probabilities, new_size)

if False:  # reference __main__ guard neutralized (emitter)
    out = reference(**setup_inputs())
    print([o.shape for o in out[:-1]], int(out[-1]))

if __name__ == "__main__":
    import jax
    _d = setup_inputs()
    print(jax.jit(kernel)(*tuple(_d.values())))

</pallas_src>

<mosaic_0001>
#map = affine_map<(d0, d1) -> (0, 0)>
module attributes {stable_mosaic.version = 14 : i64} {
  func.func @_sc_bel_copy_body(%arg0: i32, %arg1: i32, %arg2: memref<100000x256xf32, #tpu.memory_space<hbm>>, %arg3: memref<100000x256xf32, #tpu.memory_space<hbm>>, %arg4: memref<200x256xf32, #tpu.memory_space<vmem>>, %arg5: memref<200x256xf32, #tpu.memory_space<vmem>>, %arg6: memref<!tpu.dma_semaphore, #tpu.memory_space<semaphore_mem>>, %arg7: memref<!tpu.dma_semaphore, #tpu.memory_space<semaphore_mem>>, %arg8: memref<!tpu.dma_semaphore, #tpu.memory_space<semaphore_mem>>, %arg9: memref<!tpu.dma_semaphore, #tpu.memory_space<semaphore_mem>>) attributes {dimension_semantics = [#tpu.dimension_semantics<core_parallel>, #tpu.dimension_semantics<subcore_parallel>], iteration_bounds = array<i64: 2, 16>, scalar_prefetch = 0 : i64, scratch_operands = 6 : i64, tpu.core_type = #tpu.core_type<sc_vector_subcore>, window_params = [{transform_indices = #map}, {transform_indices = #map}]} {
    %mul3A = arith.constant 2 : i32
    %mul3A_0 = arith.muli %arg1, %mul3A : i32
    %add3A = arith.addi %mul3A_0, %arg0 : i32
    %mul3A_1 = arith.constant 3200 : i32
    %mul3A_2 = arith.muli %add3A, %mul3A_1 : i32
    %add3A_3 = arith.constant 0 : i32
    %add3A_4 = arith.addi %mul3A_2, %add3A_3 : i32
    %min3A = arith.constant 99800 : i32
    %min3A_5 = arith.minsi %add3A_4, %min3A : i32
    %add3A_6 = arith.constant 200 : i32
    %add3A_7 = arith.addi %mul3A_2, %add3A_6 : i32
    %min3A_8 = arith.constant 99800 : i32
    %min3A_9 = arith.minsi %add3A_7, %min3A_8 : i32
    %add3A_10 = arith.constant 400 : i32
    %add3A_11 = arith.addi %mul3A_2, %add3A_10 : i32
    %min3A_12 = arith.constant 99800 : i32
    %min3A_13 = arith.minsi %add3A_11, %min3A_12 : i32
    %add3A_14 = arith.constant 600 : i32
    %add3A_15 = arith.addi %mul3A_2, %add3A_14 : i32
    %min3A_16 = arith.constant 99800 : i32
    %min3A_17 = arith.minsi %add3A_15, %min3A_16 : i32
    %add3A_18 = arith.constant 800 : i32
    %add3A_19 = arith.addi %mul3A_2, %add3A_18 : i32
    %min3A_20 = arith.constant 99800 : i32
    %min3A_21 = arith.minsi %add3A_19, %min3A_20 : i32
    %add3A_22 = arith.constant 1000 : i32
    %add3A_23 = arith.addi %mul3A_2, %add3A_22 : i32
    %min3A_24 = arith.constant 99800 : i32
    %min3A_25 = arith.minsi %add3A_23, %min3A_24 : i32
    %add3A_26 = arith.constant 1200 : i32
    %add3A_27 = arith.addi %mul3A_2, %add3A_26 : i32
    %min3A_28 = arith.constant 99800 : i32
    %min3A_29 = arith.minsi %add3A_27, %min3A_28 : i32
    %add3A_30 = arith.constant 1400 : i32
    %add3A_31 = arith.addi %mul3A_2, %add3A_30 : i32
    %min3A_32 = arith.constant 99800 : i32
    %min3A_33 = arith.minsi %add3A_31, %min3A_32 : i32
    %add3A_34 = arith.constant 1600 : i32
    %add3A_35 = arith.addi %mul3A_2, %add3A_34 : i32
    %min3A_36 = arith.constant 99800 : i32
    %min3A_37 = arith.minsi %add3A_35, %min3A_36 : i32
    %add3A_38 = arith.constant 1800 : i32
    %add3A_39 = arith.addi %mul3A_2, %add3A_38 : i32
    %min3A_40 = arith.constant 99800 : i32
    %min3A_41 = arith.minsi %add3A_39, %min3A_40 : i32
    %add3A_42 = arith.constant 2000 : i32
    %add3A_43 = arith.addi %mul3A_2, %add3A_42 : i32
    %min3A_44 = arith.constant 99800 : i32
    %min3A_45 = arith.minsi %add3A_43, %min3A_44 : i32
    %add3A_46 = arith.constant 2200 : i32
    %add3A_47 = arith.addi %mul3A_2, %add3A_46 : i32
    %min3A_48 = arith.constant 99800 : i32
    %min3A_49 = arith.minsi %add3A_47, %min3A_48 : i32
    %add3A_50 = arith.constant 2400 : i32
    %add3A_51 = arith.addi %mul3A_2, %add3A_50 : i32
    %min3A_52 = arith.constant 99800 : i32
    %min3A_53 = arith.minsi %add3A_51, %min3A_52 : i32
    %add3A_54 = arith.constant 2600 : i32
    %add3A_55 = arith.addi %mul3A_2, %add3A_54 : i32
    %min3A_56 = arith.constant 99800 : i32
    %min3A_57 = arith.minsi %add3A_55, %min3A_56 : i32
    %add3A_58 = arith.constant 2800 : i32
    %add3A_59 = arith.addi %mul3A_2, %add3A_58 : i32
    %min3A_60 = arith.constant 99800 : i32
    %min3A_61 = arith.minsi %add3A_59, %min3A_60 : i32
    %add3A_62 = arith.constant 3000 : i32
    %add3A_63 = arith.addi %mul3A_2, %add3A_62 : i32
    %min3A_64 = arith.constant 99800 : i32
    %min3A_65 = arith.minsi %add3A_63, %min3A_64 : i32
    %dma_start3A = arith.constant 0 : i32
    %dma_start3A_66 = tpu.memref_slice %arg2[%min3A_5, %dma_start3A] : memref<100000x256xf32, #tpu.memory_space<hbm>> -> memref<200x256xf32, #tpu.memory_space<hbm>>
    %dma_start3A_67 = arith.constant 0 : i32
    %dma_start3A_68 = tpu.memref_slice %arg2[%min3A_5, %dma_start3A_67] : memref<100000x256xf32, #tpu.memory_space<hbm>> -> memref<200x256xf32, #tpu.memory_space<hbm>>
    tpu.enqueue_dma source(%dma_start3A_68 : memref<200x256xf32, #tpu.memory_space<hbm>>) target(%arg4 : memref<200x256xf32, #tpu.memory_space<vmem>>) target_semaphore(%arg6 : memref<!tpu.dma_semaphore, #tpu.memory_space<semaphore_mem>>)
    %dma_wait3A = arith.constant 0 : i32
    %dma_wait3A_69 = tpu.memref_slice %arg2[%min3A_5, %dma_wait3A] : memref<100000x256xf32, #tpu.memory_space<hbm>> -> memref<200x256xf32, #tpu.memory_space<hbm>>
    %dma_wait3A_70 = arith.constant 0 : i32
    %dma_wait3A_71 = tpu.memref_slice %arg2[%min3A_5, %dma_wait3A_70] : memref<100000x256xf32, #tpu.memory_space<hbm>> -> memref<200x256xf32, #tpu.memory_space<hbm>>
    tpu.wait_dma2 semaphore(%arg6 : memref<!tpu.dma_semaphore, #tpu.memory_space<semaphore_mem>>) src(%dma_wait3A_71 : memref<200x256xf32, #tpu.memory_space<hbm>>) dst(%arg4 : memref<200x256xf32, #tpu.memory_space<vmem>>)
    %dma_start3A_72 = arith.constant 0 : i32
    %dma_start3A_73 = tpu.memref_slice %arg3[%min3A_5, %dma_start3A_72] : memref<100000x256xf32, #tpu.memory_space<hbm>> -> memref<200x256xf32, #tpu.memory_space<hbm>>
    %dma_start3A_74 = arith.constant 0 : i32
    %dma_start3A_75 = tpu.memref_slice %arg3[%min3A_5, %dma_start3A_74] : memref<100000x256xf32, #tpu.memory_space<hbm>> -> memref<200x256xf32, #tpu.memory_space<hbm>>
    tpu.enqueue_dma source(%arg4 : memref<200x256xf32, #tpu.memory_space<vmem>>) target(%dma_start3A_75 : memref<200x256xf32, #tpu.memory_space<hbm>>) target_semaphore(%arg8 : memref<!tpu.dma_semaphore, #tpu.memory_space<semaphore_mem>>)
    %dma_start3A_76 = arith.constant 0 : i32
    %dma_start3A_77 = tpu.memref_slice %arg2[%min3A_9, %dma_start3A_76] : memref<100000x256xf32, #tpu.memory_space<hbm>> -> memref<200x256xf32, #tpu.memory_space<hbm>>
    %dma_start3A_78 = arith.constant 0 : i32
    %dma_start3A_79 = tpu.memref_slice %arg2[%min3A_9, %dma_start3A_78] : memref<100000x256xf32, #tpu.memory_space<hbm>> -> memref<200x256xf32, #tpu.memory_space<hbm>>
    tpu.enqueue_dma source(%dma_start3A_79 : memref<200x256xf32, #tpu.memory_space<hbm>>) target(%arg5 : memref<200x256xf32, #tpu.memory_space<vmem>>) target_semaphore(%arg7 : memref<!tpu.dma_semaphore, #tpu.memory_space<semaphore_mem>>)
    %dma_wait3A_80 = arith.constant 0 : i32
    %dma_wait3A_81 = tpu.memref_slice %arg2[%min3A_9, %dma_wait3A_80] : memref<100000x256xf32, #tpu.memory_space<hbm>> -> memref<200x256xf32, #tpu.memory_space<hbm>>
    %dma_wait3A_82 = arith.constant 0 : i32
    %dma_wait3A_83 = tpu.memref_slice %arg2[%min3A_9, %dma_wait3A_82] : memref<100000x256xf32, #tpu.memory_space<hbm>> -> memref<200x256xf32, #tpu.memory_space<hbm>>
    tpu.wait_dma2 semaphore(%arg7 : memref<!tpu.dma_semaphore, #tpu.memory_space<semaphore_mem>>) src(%dma_wait3A_83 : memref<200x256xf32, #tpu.memory_space<hbm>>) dst(%arg5 : memref<200x256xf32, #tpu.memory_space<vmem>>)
    %dma_start3A_84 = arith.constant 0 : i32
    %dma_start3A_85 = tpu.memref_slice %arg3[%min3A_9, %dma_start3A_84] : memref<100000x256xf32, #tpu.memory_space<hbm>> -> memref<200x256xf32, #tpu.memory_space<hbm>>
    %dma_start3A_86 = arith.constant 0 : i32
    %dma_start3A_87 = tpu.memref_slice %arg3[%min3A_9, %dma_start3A_86] : memref<100000x256xf32, #tpu.memory_space<hbm>> -> memref<200x256xf32, #tpu.memory_space<hbm>>
    tpu.enqueue_dma source(%arg5 : memref<200x256xf32, #tpu.memory_space<vmem>>) target(%dma_start3A_87 : memref<200x256xf32, #tpu.memory_space<hbm>>) target_semaphore(%arg9 : memref<!tpu.dma_semaphore, #tpu.memory_space<semaphore_mem>>)
    %dma_wait3A_88 = arith.constant 0 : i32
    %dma_wait3A_89 = tpu.memref_slice %arg3[%min3A_5, %dma_wait3A_88] : memref<100000x256xf32, #tpu.memory_space<hbm>> -> memref<200x256xf32, #tpu.memory_space<hbm>>
    %dma_wait3A_90 = arith.constant 0 : i32
    %dma_wait3A_91 = tpu.memref_slice %arg3[%min3A_5, %dma_wait3A_90] : memref<100000x256xf32, #tpu.memory_space<hbm>> -> memref<200x256xf32, #tpu.memory_space<hbm>>
    tpu.wait_dma2 semaphore(%arg8 : memref<!tpu.dma_semaphore, #tpu.memory_space<semaphore_mem>>) src(%arg4 : memref<200x256xf32, #tpu.memory_space<vmem>>) dst(%dma_wait3A_91 : memref<200x256xf32, #tpu.memory_space<hbm>>)
    %dma_start3A_92 = arith.constant 0 : i32
    %dma_start3A_93 = tpu.memref_slice %arg2[%min3A_13, %dma_start3A_92] : memref<100000x256xf32, #tpu.memory_space<hbm>> -> memref<200x256xf32, #tpu.memory_space<hbm>>
    %dma_start3A_94 = arith.constant 0 : i32
    %dma_start3A_95 = tpu.memref_slice %arg2[%min3A_13, %dma_start3A_94] : memref<100000x256xf32, #tpu.memory_space<hbm>> -> memref<200x256xf32, #tpu.memory_space<hbm>>
    tpu.enqueue_dma source(%dma_start3A_95 : memref<200x256xf32, #tpu.memory_space<hbm>>) target(%arg4 : memref<200x256xf32, #tpu.memory_space<vmem>>) target_semaphore(%arg6 : memref<!tpu.dma_semaphore, #tpu.memory_space<semaphore_mem>>)
    %dma_wait3A_96 = arith.constant 0 : i32
    %dma_wait3A_97 = tpu.memref_slice %arg2[%min3A_13, %dma_wait3A_96] : memref<100000x256xf32, #tpu.memory_space<hbm>> -> memref<200x256xf32, #tpu.memory_space<hbm>>
    %dma_wait3A_98 = arith.constant 0 : i32
    %dma_wait3A_99 = tpu.memref_slice %arg2[%min3A_13, %dma_wait3A_98] : memref<100000x256xf32, #tpu.memory_space<hbm>> -> memref<200x256xf32, #tpu.memory_space<hbm>>
    tpu.wait_dma2 semaphore(%arg6 : memref<!tpu.dma_semaphore, #tpu.memory_space<semaphore_mem>>) src(%dma_wait3A_99 : memref<200x256xf32, #tpu.memory_space<hbm>>) dst(%arg4 : memref<200x256xf32, #tpu.memory_space<vmem>>)
    %dma_start3A_100 = arith.constant 0 : i32
    %dma_start3A_101 = tpu.memref_slice %arg3[%min3A_13, %dma_start3A_100] : memref<100000x256xf32, #tpu.memory_space<hbm>> -> memref<200x256xf32, #tpu.memory_space<hbm>>
    %dma_start3A_102 = arith.constant 0 : i32
    %dma_start3A_103 = tpu.memref_slice %arg3[%min3A_13, %dma_start3A_102] : memref<100000x256xf32, #tpu.memory_space<hbm>> -> memref<200x256xf32, #tpu.memory_space<hbm>>
    tpu.enqueue_dma source(%arg4 : memref<200x256xf32, #tpu.memory_space<vmem>>) target(%dma_start3A_103 : memref<200x256xf32, #tpu.memory_space<hbm>>) target_semaphore(%arg8 : memref<!tpu.dma_semaphore, #tpu.memory_space<semaphore_mem>>)
    %dma_wait3A_104 = arith.constant 0 : i32
    %dma_wait3A_105 = tpu.memref_slice %arg3[%min3A_9, %dma_wait3A_104] : memref<100000x256xf32, #tpu.memory_space<hbm>> -> memref<200x256xf32, #tpu.memory_space<hbm>>
    %dma_wait3A_106 = arith.constant 0 : i32
    %dma_wait3A_107 = tpu.memref_slice %arg3[%min3A_9, %dma_wait3A_106] : memref<100000x256xf32, #tpu.memory_space<hbm>> -> memref<200x256xf32, #tpu.memory_space<hbm>>
    tpu.wait_dma2 semaphore(%arg9 : memref<!tpu.dma_semaphore, #tpu.memory_space<semaphore_mem>>) src(%arg5 : memref<200x256xf32, #tpu.memory_space<vmem>>) dst(%dma_wait3A_107 : memref<200x256xf32, #tpu.memory_space<hbm>>)
    %dma_start3A_108 = arith.constant 0 : i32
    %dma_start3A_109 = tpu.memref_slice %arg2[%min3A_17, %dma_start3A_108] : memref<100000x256xf32, #tpu.memory_space<hbm>> -> memref<200x256xf32, #tpu.memory_space<hbm>>
    %dma_start3A_110 = arith.constant 0 : i32
    %dma_start3A_111 = tpu.memref_slice %arg2[%min3A_17, %dma_start3A_110] : memref<100000x256xf32, #tpu.memory_space<hbm>> -> memref<200x256xf32, #tpu.memory_space<hbm>>
    tpu.enqueue_dma source(%dma_start3A_111 : memref<200x256xf32, #tpu.memory_space<hbm>>) target(%arg5 : memref<200x256xf32, #tpu.memory_space<vmem>>) target_semaphore(%arg7 : memref<!tpu.dma_semaphore, #tpu.memory_space<semaphore_mem>>)
    %dma_wait3A_112 = arith.constant 0 : i32
    %dma_wait3A_113 = tpu.memref_slice %arg2[%min3A_17, %dma_wait3A_112] : memref<100000x256xf32, #tpu.memory_space<hbm>> -> memref<200x256xf32, #tpu.memory_space<hbm>>
    %dma_wait3A_114 = arith.constant 0 : i32
    %dma_wait3A_115 = tpu.memref_slice %arg2[%min3A_17, %dma_wait3A_114] : memref<100000x256xf32, #tpu.memory_space<hbm>> -> memref<200x256xf32, #tpu.memory_space<hbm>>
    tpu.wait_dma2 semaphore(%arg7 : memref<!tpu.dma_semaphore, #tpu.memory_space<semaphore_mem>>) src(%dma_wait3A_115 : memref<200x256xf32, #tpu.memory_space<hbm>>) dst(%arg5 : memref<200x256xf32, #tpu.memory_space<vmem>>)
    %dma_start3A_116 = arith.constant 0 : i32
    %dma_start3A_117 = tpu.memref_slice %arg3[%min3A_17, %dma_start3A_116] : memref<100000x256xf32, #tpu.memory_space<hbm>> -> memref<200x256xf32, #tpu.memory_space<hbm>>
    %dma_start3A_118 = arith.constant 0 : i32
    %dma_start3A_119 = tpu.memref_slice %arg3[%min3A_17, %dma_start3A_118] : memref<100000x256xf32, #tpu.memory_space<hbm>> -> memref<200x256xf32, #tpu.memory_space<hbm>>
    tpu.enqueue_dma source(%arg5 : memref<200x256xf32, #tpu.memory_space<vmem>>) target(%dma_start3A_119 : memref<200x256xf32, #tpu.memory_space<hbm>>) target_semaphore(%arg9 : memref<!tpu.dma_semaphore, #tpu.memory_space<semaphore_mem>>)
    %dma_wait3A_120 = arith.constant 0 : i32
    %dma_wait3A_121 = tpu.memref_slice %arg3[%min3A_13, %dma_wait3A_120] : memref<100000x256xf32, #tpu.memory_space<hbm>> -> memref<200x256xf32, #tpu.memory_space<hbm>>
    %dma_wait3A_122 = arith.constant 0 : i32
    %dma_wait3A_123 = tpu.memref_slice %arg3[%min3A_13, %dma_wait3A_122] : memref<100000x256xf32, #tpu.memory_space<hbm>> -> memref<200x256xf32, #tpu.memory_space<hbm>>
    tpu.wait_dma2 semaphore(%arg8 : memref<!tpu.dma_semaphore, #tpu.memory_space<semaphore_mem>>) src(%arg4 : memref<200x256xf32, #tpu.memory_space<vmem>>) dst(%dma_wait3A_123 : memref<200x256xf32, #tpu.memory_space<hbm>>)
    %dma_start3A_124 = arith.constant 0 : i32
    %dma_start3A_125 = tpu.memref_slice %arg2[%min3A_21, %dma_start3A_124] : memref<100000x256xf32, #tpu.memory_space<hbm>> -> memref<200x256xf32, #tpu.memory_space<hbm>>
    %dma_start3A_126 = arith.constant 0 : i32
    %dma_start3A_127 = tpu.memref_slice %arg2[%min3A_21, %dma_start3A_126] : memref<100000x256xf32, #tpu.memory_space<hbm>> -> memref<200x256xf32, #tpu.memory_space<hbm>>
    tpu.enqueue_dma source(%dma_start3A_127 : memref<200x256xf32, #tpu.memory_space<hbm>>) target(%arg4 : memref<200x256xf32, #tpu.memory_space<vmem>>) target_semaphore(%arg6 : memref<!tpu.dma_semaphore, #tpu.memory_space<semaphore_mem>>)
    %dma_wait3A_128 = arith.constant 0 : i32
    %dma_wait3A_129 = tpu.memref_slice %arg2[%min3A_21, %dma_wait3A_128] : memref<100000x256xf32, #tpu.memory_space<hbm>> -> memref<200x256xf32, #tpu.memory_space<hbm>>
    %dma_wait3A_130 = arith.constant 0 : i32
    %dma_wait3A_131 = tpu.memref_slice %arg2[%min3A_21, %dma_wait3A_130] : memref<100000x256xf32, #tpu.memory_space<hbm>> -> memref<200x256xf32, #tpu.memory_space<hbm>>
    tpu.wait_dma2 semaphore(%arg6 : memref<!tpu.dma_semaphore, #tpu.memory_space<semaphore_mem>>) src(%dma_wait3A_131 : memref<200x256xf32, #tpu.memory_space<hbm>>) dst(%arg4 : memref<200x256xf32, #tpu.memory_space<vmem>>)
    %dma_start3A_132 = arith.constant 0 : i32
    %dma_start3A_133 = tpu.memref_slice %arg3[%min3A_21, %dma_start3A_132] : memref<100000x256xf32, #tpu.memory_space<hbm>> -> memref<200x256xf32, #tpu.memory_space<hbm>>
    %dma_start3A_134 = arith.constant 0 : i32
    %dma_start3A_135 = tpu.memref_slice %arg3[%min3A_21, %dma_start3A_134] : memref<100000x256xf32, #tpu.memory_space<hbm>> -> memref<200x256xf32, #tpu.memory_space<hbm>>
    tpu.enqueue_dma source(%arg4 : memref<200x256xf32, #tpu.memory_space<vmem>>) target(%dma_start3A_135 : memref<200x256xf32, #tpu.memory_space<hbm>>) target_semaphore(%arg8 : memref<!tpu.dma_semaphore, #tpu.memory_space<semaphore_mem>>)
    %dma_wait3A_136 = arith.constant 0 : i32
    %dma_wait3A_137 = tpu.memref_slice %arg3[%min3A_17, %dma_wait3A_136] : memref<100000x256xf32, #tpu.memory_space<hbm>> -> memref<200x256xf32, #tpu.memory_space<hbm>>
    %dma_wait3A_138 = arith.constant 0 : i32
    %dma_wait3A_139 = tpu.memref_slice %arg3[%min3A_17, %dma_wait3A_138] : memref<100000x256xf32, #tpu.memory_space<hbm>> -> memref<200x256xf32, #tpu.memory_space<hbm>>
    tpu.wait_dma2 semaphore(%arg9 : memref<!tpu.dma_semaphore, #tpu.memory_space<semaphore_mem>>) src(%arg5 : memref<200x256xf32, #tpu.memory_space<vmem>>) dst(%dma_wait3A_139 : memref<200x256xf32, #tpu.memory_space<hbm>>)
    %dma_start3A_140 = arith.constant 0 : i32
    %dma_start3A_141 = tpu.memref_slice %arg2[%min3A_25, %dma_start3A_140] : memref<100000x256xf32, #tpu.memory_space<hbm>> -> memref<200x256xf32, #tpu.memory_space<hbm>>
    %dma_start3A_142 = arith.constant 0 : i32
    %dma_start3A_143 = tpu.memref_slice %arg2[%min3A_25, %dma_start3A_142] : memref<100000x256xf32, #tpu.memory_space<hbm>> -> memref<200x256xf32, #tpu.memory_space<hbm>>
    tpu.enqueue_dma source(%dma_start3A_143 : memref<200x256xf32, #tpu.memory_space<hbm>>) target(%arg5 : memref<200x256xf32, #tpu.memory_space<vmem>>) target_semaphore(%arg7 : memref<!tpu.dma_semaphore, #tpu.memory_space<semaphore_mem>>)
    %dma_wait3A_144 = arith.constant 0 : i32
    %dma_wait3A_145 = tpu.memref_slice %arg2[%min3A_25, %dma_wait3A_144] : memref<100000x256xf32, #tpu.memory_space<hbm>> -> memref<200x256xf32, #tpu.memory_space<hbm>>
    %dma_wait3A_146 = arith.constant 0 : i32
    %dma_wait3A_147 = tpu.memref_slice %arg2[%min3A_25, %dma_wait3A_146] : memref<100000x256xf32, #tpu.memory_space<hbm>> -> memref<200x256xf32, #tpu.memory_space<hbm>>
    tpu.wait_dma2 semaphore(%arg7 : memref<!tpu.dma_semaphore, #tpu.memory_space<semaphore_mem>>) src(%dma_wait3A_147 : memref<200x256xf32, #tpu.memory_space<hbm>>) dst(%arg5 : memref<200x256xf32, #tpu.memory_space<vmem>>)
    %dma_start3A_148 = arith.constant 0 : i32
    %dma_start3A_149 = tpu.memref_slice %arg3[%min3A_25, %dma_start3A_148] : memref<100000x256xf32, #tpu.memory_space<hbm>> -> memref<200x256xf32, #tpu.memory_space<hbm>>
    %dma_start3A_150 = arith.constant 0 : i32
    %dma_start3A_151 = tpu.memref_slice %arg3[%min3A_25, %dma_start3A_150] : memref<100000x256xf32, #tpu.memory_space<hbm>> -> memref<200x256xf32, #tpu.memory_space<hbm>>
    tpu.enqueue_dma source(%arg5 : memref<200x256xf32, #tpu.memory_space<vmem>>) target(%dma_start3A_151 : memref<200x256xf32, #tpu.memory_space<hbm>>) target_semaphore(%arg9 : memref<!tpu.dma_semaphore, #tpu.memory_space<semaphore_mem>>)
    %dma_wait3A_152 = arith.constant 0 : i32
    %dma_wait3A_153 = tpu.memref_slice %arg3[%min3A_21, %dma_wait3A_152] : memref<100000x256xf32, #tpu.memory_space<hbm>> -> memref<200x256xf32, #tpu.memory_space<hbm>>
    %dma_wait3A_154 = arith.constant 0 : i32
    %dma_wait3A_155 = tpu.memref_slice %arg3[%min3A_21, %dma_wait3A_154] : memref<100000x256xf32, #tpu.memory_space<hbm>> -> memref<200x256xf32, #tpu.memory_space<hbm>>
    tpu.wait_dma2 semaphore(%arg8 : memref<!tpu.dma_semaphore, #tpu.memory_space<semaphore_mem>>) src(%arg4 : memref<200x256xf32, #tpu.memory_space<vmem>>) dst(%dma_wait3A_155 : memref<200x256xf32, #tpu.memory_space<hbm>>)
    %dma_start3A_156 = arith.constant 0 : i32
    %dma_start3A_157 = tpu.memref_slice %arg2[%min3A_29, %dma_start3A_156] : memref<100000x256xf32, #tpu.memory_space<hbm>> -> memref<200x256xf32, #tpu.memory_space<hbm>>
    %dma_start3A_158 = arith.constant 0 : i32
    %dma_start3A_159 = tpu.memref_slice %arg2[%min3A_29, %dma_start3A_158] : memref<100000x256xf32, #tpu.memory_space<hbm>> -> memref<200x256xf32, #tpu.memory_space<hbm>>
    tpu.enqueue_dma source(%dma_start3A_159 : memref<200x256xf32, #tpu.memory_space<hbm>>) target(%arg4 : memref<200x256xf32, #tpu.memory_space<vmem>>) target_semaphore(%arg6 : memref<!tpu.dma_semaphore, #tpu.memory_space<semaphore_mem>>)
    %dma_wait3A_160 = arith.constant 0 : i32
    %dma_wait3A_161 = tpu.memref_slice %arg2[%min3A_29, %dma_wait3A_160] : memref<100000x256xf32, #tpu.memory_space<hbm>> -> memref<200x256xf32, #tpu.memory_space<hbm>>
    %dma_wait3A_162 = arith.constant 0 : i32
    %dma_wait3A_163 = tpu.memref_slice %arg2[%min3A_29, %dma_wait3A_162] : memref<100000x256xf32, #tpu.memory_space<hbm>> -> memref<200x256xf32, #tpu.memory_space<hbm>>
    tpu.wait_dma2 semaphore(%arg6 : memref<!tpu.dma_semaphore, #tpu.memory_space<semaphore_mem>>) src(%dma_wait3A_163 : memref<200x256xf32, #tpu.memory_space<hbm>>) dst(%arg4 : memref<200x256xf32, #tpu.memory_space<vmem>>)
    %dma_start3A_164 = arith.constant 0 : i32
    %dma_start3A_165 = tpu.memref_slice %arg3[%min3A_29, %dma_start3A_164] : memref<100000x256xf32, #tpu.memory_space<hbm>> -> memref<200x256xf32, #tpu.memory_space<hbm>>
    %dma_start3A_166 = arith.constant 0 : i32
    %dma_start3A_167 = tpu.memref_slice %arg3[%min3A_29, %dma_start3A_166] : memref<100000x256xf32, #tpu.memory_space<hbm>> -> memref<200x256xf32, #tpu.memory_space<hbm>>
    tpu.enqueue_dma source(%arg4 : memref<200x256xf32, #tpu.memory_space<vmem>>) target(%dma_start3A_167 : memref<200x256xf32, #tpu.memory_space<hbm>>) target_semaphore(%arg8 : memref<!tpu.dma_semaphore, #tpu.memory_space<semaphore_mem>>)
    %dma_wait3A_168 = arith.constant 0 : i32
    %dma_wait3A_169 = tpu.memref_slice %arg3[%min3A_25, %dma_wait3A_168] : memref<100000x256xf32, #tpu.memory_space<hbm>> -> memref<200x256xf32, #tpu.memory_space<hbm>>
    %dma_wait3A_170 = arith.constant 0 : i32
    %dma_wait3A_171 = tpu.memref_slice %arg3[%min3A_25, %dma_wait3A_170] : memref<100000x256xf32, #tpu.memory_space<hbm>> -> memref<200x256xf32, #tpu.memory_space<hbm>>
    tpu.wait_dma2 semaphore(%arg9 : memref<!tpu.dma_semaphore, #tpu.memory_space<semaphore_mem>>) src(%arg5 : memref<200x256xf32, #tpu.memory_space<vmem>>) dst(%dma_wait3A_171 : memref<200x256xf32, #tpu.memory_space<hbm>>)
    %dma_start3A_172 = arith.constant 0 : i32
    %dma_start3A_173 = tpu.memref_slice %arg2[%min3A_33, %dma_start3A_172] : memref<100000x256xf32, #tpu.memory_space<hbm>> -> memref<200x256xf32, #tpu.memory_space<hbm>>
    %dma_start3A_174 = arith.constant 0 : i32
    %dma_start3A_175 = tpu.memref_slice %arg2[%min3A_33, %dma_start3A_174] : memref<100000x256xf32, #tpu.memory_space<hbm>> -> memref<200x256xf32, #tpu.memory_space<hbm>>
    tpu.enqueue_dma source(%dma_start3A_175 : memref<200x256xf32, #tpu.memory_space<hbm>>) target(%arg5 : memref<200x256xf32, #tpu.memory_space<vmem>>) target_semaphore(%arg7 : memref<!tpu.dma_semaphore, #tpu.memory_space<semaphore_mem>>)
    %dma_wait3A_176 = arith.constant 0 : i32
    %dma_wait3A_177 = tpu.memref_slice %arg2[%min3A_33, %dma_wait3A_176] : memref<100000x256xf32, #tpu.memory_space<hbm>> -> memref<200x256xf32, #tpu.memory_space<hbm>>
    %dma_wait3A_178 = arith.constant 0 : i32
    %dma_wait3A_179 = tpu.memref_slice %arg2[%min3A_33, %dma_wait3A_178] : memref<100000x256xf32, #tpu.memory_space<hbm>> -> memref<200x256xf32, #tpu.memory_space<hbm>>
    tpu.wait_dma2 semaphore(%arg7 : memref<!tpu.dma_semaphore, #tpu.memory_space<semaphore_mem>>) src(%dma_wait3A_179 : memref<200x256xf32, #tpu.memory_space<hbm>>) dst(%arg5 : memref<200x256xf32, #tpu.memory_space<vmem>>)
    %dma_start3A_180 = arith.constant 0 : i32
    %dma_start3A_181 = tpu.memref_slice %arg3[%min3A_33, %dma_start3A_180] : memref<100000x256xf32, #tpu.memory_space<hbm>> -> memref<200x256xf32, #tpu.memory_space<hbm>>
    %dma_start3A_182 = arith.constant 0 : i32
    %dma_start3A_183 = tpu.memref_slice %arg3[%min3A_33, %dma_start3A_182] : memref<100000x256xf32, #tpu.memory_space<hbm>> -> memref<200x256xf32, #tpu.memory_space<hbm>>
    tpu.enqueue_dma source(%arg5 : memref<200x256xf32, #tpu.memory_space<vmem>>) target(%dma_start3A_183 : memref<200x256xf32, #tpu.memory_space<hbm>>) target_semaphore(%arg9 : memref<!tpu.dma_semaphore, #tpu.memory_space<semaphore_mem>>)
    %dma_wait3A_184 = arith.constant 0 : i32
    %dma_wait3A_185 = tpu.memref_slice %arg3[%min3A_29, %dma_wait3A_184] : memref<100000x256xf32, #tpu.memory_space<hbm>> -> memref<200x256xf32, #tpu.memory_space<hbm>>
    %dma_wait3A_186 = arith.constant 0 : i32
    %dma_wait3A_187 = tpu.memref_slice %arg3[%min3A_29, %dma_wait3A_186] : memref<100000x256xf32, #tpu.memory_space<hbm>> -> memref<200x256xf32, #tpu.memory_space<hbm>>
    tpu.wait_dma2 semaphore(%arg8 : memref<!tpu.dma_semaphore, #tpu.memory_space<semaphore_mem>>) src(%arg4 : memref<200x256xf32, #tpu.memory_space<vmem>>) dst(%dma_wait3A_187 : memref<200x256xf32, #tpu.memory_space<hbm>>)
    %dma_start3A_188 = arith.constant 0 : i32
    %dma_start3A_189 = tpu.memref_slice %arg2[%min3A_37, %dma_start3A_188] : memref<100000x256xf32, #tpu.memory_space<hbm>> -> memref<200x256xf32, #tpu.memory_space<hbm>>
    %dma_start3A_190 = arith.constant 0 : i32
    %dma_start3A_191 = tpu.memref_slice %arg2[%min3A_37, %dma_start3A_190] : memref<100000x256xf32, #tpu.memory_space<hbm>> -> memref<200x256xf32, #tpu.memory_space<hbm>>
    tpu.enqueue_dma source(%dma_start3A_191 : memref<200x256xf32, #tpu.memory_space<hbm>>) target(%arg4 : memref<200x256xf32, #tpu.memory_space<vmem>>) target_semaphore(%arg6 : memref<!tpu.dma_semaphore, #tpu.memory_space<semaphore_mem>>)
    %dma_wait3A_192 = arith.constant 0 : i32
    %dma_wait3A_193 = tpu.memref_slice %arg2[%min3A_37, %dma_wait3A_192] : memref<100000x256xf32, #tpu.memory_space<hbm>> -> memref<200x256xf32, #tpu.memory_space<hbm>>
    %dma_wait3A_194 = arith.constant 0 : i32
    %dma_wait3A_195 = tpu.memref_slice %arg2[%min3A_37, %dma_wait3A_194] : memref<100000x256xf32, #tpu.memory_space<hbm>> -> memref<200x256xf32, #tpu.memory_space<hbm>>
    tpu.wait_dma2 semaphore(%arg6 : memref<!tpu.dma_semaphore, #tpu.memory_space<semaphore_mem>>) src(%dma_wait3A_195 : memref<200x256xf32, #tpu.memory_space<hbm>>) dst(%arg4 : memref<200x256xf32, #tpu.memory_space<vmem>>)
    %dma_start3A_196 = arith.constant 0 : i32
    %dma_start3A_197 = tpu.memref_slice %arg3[%min3A_37, %dma_start3A_196] : memref<100000x256xf32, #tpu.memory_space<hbm>> -> memref<200x256xf32, #tpu.memory_space<hbm>>
    %dma_start3A_198 = arith.constant 0 : i32
    %dma_start3A_199 = tpu.memref_slice %arg3[%min3A_37, %dma_start3A_198] : memref<100000x256xf32, #tpu.memory_space<hbm>> -> memref<200x256xf32, #tpu.memory_space<hbm>>
    tpu.enqueue_dma source(%arg4 : memref<200x256xf32, #tpu.memory_space<vmem>>) target(%dma_start3A_199 : memref<200x256xf32, #tpu.memory_space<hbm>>) target_semaphore(%arg8 : memref<!tpu.dma_semaphore, #tpu.memory_space<semaphore_mem>>)
    %dma_wait3A_200 = arith.constant 0 : i32
    %dma_wait3A_201 = tpu.memref_slice %arg3[%min3A_33, %dma_wait3A_200] : memref<100000x256xf32, #tpu.memory_space<hbm>> -> memref<200x256xf32, #tpu.memory_space<hbm>>
    %dma_wait3A_202 = arith.constant 0 : i32
    %dma_wait3A_203 = tpu.memref_slice %arg3[%min3A_33, %dma_wait3A_202] : memref<100000x256xf32, #tpu.memory_space<hbm>> -> memref<200x256xf32, #tpu.memory_space<hbm>>
    tpu.wait_dma2 semaphore(%arg9 : memref<!tpu.dma_semaphore, #tpu.memory_space<semaphore_mem>>) src(%arg5 : memref<200x256xf32, #tpu.memory_space<vmem>>) dst(%dma_wait3A_203 : memref<200x256xf32, #tpu.memory_space<hbm>>)
    %dma_start3A_204 = arith.constant 0 : i32
    %dma_start3A_205 = tpu.memref_slice %arg2[%min3A_41, %dma_start3A_204] : memref<100000x256xf32, #tpu.memory_space<hbm>> -> memref<200x256xf32, #tpu.memory_space<hbm>>
    %dma_start3A_206 = arith.constant 0 : i32
    %dma_start3A_207 = tpu.memref_slice %arg2[%min3A_41, %dma_start3A_206] : memref<100000x256xf32, #tpu.memory_space<hbm>> -> memref<200x256xf32, #tpu.memory_space<hbm>>
    tpu.enqueue_dma source(%dma_start3A_207 : memref<200x256xf32, #tpu.memory_space<hbm>>) target(%arg5 : memref<200x256xf32, #tpu.memory_space<vmem>>) target_semaphore(%arg7 : memref<!tpu.dma_semaphore, #tpu.memory_space<semaphore_mem>>)
    %dma_wait3A_208 = arith.constant 0 : i32
    %dma_wait3A_209 = tpu.memref_slice %arg2[%min3A_41, %dma_wait3A_208] : memref<100000x256xf32, #tpu.memory_space<hbm>> -> memref<200x256xf32, #tpu.memory_space<hbm>>
    %dma_wait3A_210 = arith.constant 0 : i32
    %dma_wait3A_211 = tpu.memref_slice %arg2[%min3A_41, %dma_wait3A_210] : memref<100000x256xf32, #tpu.memory_space<hbm>> -> memref<200x256xf32, #tpu.memory_space<hbm>>
    tpu.wait_dma2 semaphore(%arg7 : memref<!tpu.dma_semaphore, #tpu.memory_space<semaphore_mem>>) src(%dma_wait3A_211 : memref<200x256xf32, #tpu.memory_space<hbm>>) dst(%arg5 : memref<200x256xf32, #tpu.memory_space<vmem>>)
    %dma_start3A_212 = arith.constant 0 : i32
    %dma_start3A_213 = tpu.memref_slice %arg3[%min3A_41, %dma_start3A_212] : memref<100000x256xf32, #tpu.memory_space<hbm>> -> memref<200x256xf32, #tpu.memory_space<hbm>>
    %dma_start3A_214 = arith.constant 0 : i32
    %dma_start3A_215 = tpu.memref_slice %arg3[%min3A_41, %dma_start3A_214] : memref<100000x256xf32, #tpu.memory_space<hbm>> -> memref<200x256xf32, #tpu.memory_space<hbm>>
    tpu.enqueue_dma source(%arg5 : memref<200x256xf32, #tpu.memory_space<vmem>>) target(%dma_start3A_215 : memref<200x256xf32, #tpu.memory_space<hbm>>) target_semaphore(%arg9 : memref<!tpu.dma_semaphore, #tpu.memory_space<semaphore_mem>>)
    %dma_wait3A_216 = arith.constant 0 : i32
    %dma_wait3A_217 = tpu.memref_slice %arg3[%min3A_37, %dma_wait3A_216] : memref<100000x256xf32, #tpu.memory_space<hbm>> -> memref<200x256xf32, #tpu.memory_space<hbm>>
    %dma_wait3A_218 = arith.constant 0 : i32
    %dma_wait3A_219 = tpu.memref_slice %arg3[%min3A_37, %dma_wait3A_218] : memref<100000x256xf32, #tpu.memory_space<hbm>> -> memref<200x256xf32, #tpu.memory_space<hbm>>
    tpu.wait_dma2 semaphore(%arg8 : memref<!tpu.dma_semaphore, #tpu.memory_space<semaphore_mem>>) src(%arg4 : memref<200x256xf32, #tpu.memory_space<vmem>>) dst(%dma_wait3A_219 : memref<200x256xf32, #tpu.memory_space<hbm>>)
    %dma_start3A_220 = arith.constant 0 : i32
    %dma_start3A_221 = tpu.memref_slice %arg2[%min3A_45, %dma_start3A_220] : memref<100000x256xf32, #tpu.memory_space<hbm>> -> memref<200x256xf32, #tpu.memory_space<hbm>>
    %dma_start3A_222 = arith.constant 0 : i32
    %dma_start3A_223 = tpu.memref_slice %arg2[%min3A_45, %dma_start3A_222] : memref<100000x256xf32, #tpu.memory_space<hbm>> -> memref<200x256xf32, #tpu.memory_space<hbm>>
    tpu.enqueue_dma source(%dma_start3A_223 : memref<200x256xf32, #tpu.memory_space<hbm>>) target(%arg4 : memref<200x256xf32, #tpu.memory_space<vmem>>) target_semaphore(%arg6 : memref<!tpu.dma_semaphore, #tpu.memory_space<semaphore_mem>>)
    %dma_wait3A_224 = arith.constant 0 : i32
    %dma_wait3A_225 = tpu.memref_slice %arg2[%min3A_45, %dma_wait3A_224] : memref<100000x256xf32, #tpu.memory_space<hbm>> -> memref<200x256xf32, #tpu.memory_space<hbm>>
    %dma_wait3A_226 = arith.constant 0 : i32
    %dma_wait3A_227 = tpu.memref_slice %arg2[%min3A_45, %dma_wait3A_226] : memref<100000x256xf32, #tpu.memory_space<hbm>> -> memref<200x256xf32, #tpu.memory_space<hbm>>
    tpu.wait_dma2 semaphore(%arg6 : memref<!tpu.dma_semaphore, #tpu.memory_space<semaphore_mem>>) src(%dma_wait3A_227 : memref<200x256xf32, #tpu.memory_space<hbm>>) dst(%arg4 : memref<200x256xf32, #tpu.memory_space<vmem>>)
    %dma_start3A_228 = arith.constant 0 : i32
    %dma_start3A_229 = tpu.memref_slice %arg3[%min3A_45, %dma_start3A_228] : memref<100000x256xf32, #tpu.memory_space<hbm>> -> memref<200x256xf32, #tpu.memory_space<hbm>>
    %dma_start3A_230 = arith.constant 0 : i32
    %dma_start3A_231 = tpu.memref_slice %arg3[%min3A_45, %dma_start3A_230] : memref<100000x256xf32, #tpu.memory_space<hbm>> -> memref<200x256xf32, #tpu.memory_space<hbm>>
    tpu.enqueue_dma source(%arg4 : memref<200x256xf32, #tpu.memory_space<vmem>>) target(%dma_start3A_231 : memref<200x256xf32, #tpu.memory_space<hbm>>) target_semaphore(%arg8 : memref<!tpu.dma_semaphore, #tpu.memory_space<semaphore_mem>>)
    %dma_wait3A_232 = arith.constant 0 : i32
    %dma_wait3A_233 = tpu.memref_slice %arg3[%min3A_41, %dma_wait3A_232] : memref<100000x256xf32, #tpu.memory_space<hbm>> -> memref<200x256xf32, #tpu.memory_space<hbm>>
    %dma_wait3A_234 = arith.constant 0 : i32
    %dma_wait3A_235 = tpu.memref_slice %arg3[%min3A_41, %dma_wait3A_234] : memref<100000x256xf32, #tpu.memory_space<hbm>> -> memref<200x256xf32, #tpu.memory_space<hbm>>
    tpu.wait_dma2 semaphore(%arg9 : memref<!tpu.dma_semaphore, #tpu.memory_space<semaphore_mem>>) src(%arg5 : memref<200x256xf32, #tpu.memory_space<vmem>>) dst(%dma_wait3A_235 : memref<200x256xf32, #tpu.memory_space<hbm>>)
    %dma_start3A_236 = arith.constant 0 : i32
    %dma_start3A_237 = tpu.memref_slice %arg2[%min3A_49, %dma_start3A_236] : memref<100000x256xf32, #tpu.memory_space<hbm>> -> memref<200x256xf32, #tpu.memory_space<hbm>>
    %dma_start3A_238 = arith.constant 0 : i32
    %dma_start3A_239 = tpu.memref_slice %arg2[%min3A_49, %dma_start3A_238] : memref<100000x256xf32, #tpu.memory_space<hbm>> -> memref<200x256xf32, #tpu.memory_space<hbm>>
    tpu.enqueue_dma source(%dma_start3A_239 : memref<200x256xf32, #tpu.memory_space<hbm>>) target(%arg5 : memref<200x256xf32, #tpu.memory_space<vmem>>) target_semaphore(%arg7 : memref<!tpu.dma_semaphore, #tpu.memory_space<semaphore_mem>>)
    %dma_wait3A_240 = arith.constant 0 : i32
    %dma_wait3A_241 = tpu.memref_slice %arg2[%min3A_49, %dma_wait3A_240] : memref<100000x256xf32, #tpu.memory_space<hbm>> -> memref<200x256xf32, #tpu.memory_space<hbm>>
    %dma_wait3A_242 = arith.constant 0 : i32
    %dma_wait3A_243 = tpu.memref_slice %arg2[%min3A_49, %dma_wait3A_242] : memref<100000x256xf32, #tpu.memory_space<hbm>> -> memref<200x256xf32, #tpu.memory_space<hbm>>
    tpu.wait_dma2 semaphore(%arg7 : memref<!tpu.dma_semaphore, #tpu.memory_space<semaphore_mem>>) src(%dma_wait3A_243 : memref<200x256xf32, #tpu.memory_space<hbm>>) dst(%arg5 : memref<200x256xf32, #tpu.memory_space<vmem>>)
    %dma_start3A_244 = arith.constant 0 : i32
    %dma_start3A_245 = tpu.memref_slice %arg3[%min3A_49, %dma_start3A_244] : memref<100000x256xf32, #tpu.memory_space<hbm>> -> memref<200x256xf32, #tpu.memory_space<hbm>>
    %dma_start3A_246 = arith.constant 0 : i32
    %dma_start3A_247 = tpu.memref_slice %arg3[%min3A_49, %dma_start3A_246] : memref<100000x256xf32, #tpu.memory_space<hbm>> -> memref<200x256xf32, #tpu.memory_space<hbm>>
    tpu.enqueue_dma source(%arg5 : memref<200x256xf32, #tpu.memory_space<vmem>>) target(%dma_start3A_247 : memref<200x256xf32, #tpu.memory_space<hbm>>) target_semaphore(%arg9 : memref<!tpu.dma_semaphore, #tpu.memory_space<semaphore_mem>>)
    %dma_wait3A_248 = arith.constant 0 : i32
    %dma_wait3A_249 = tpu.memref_slice %arg3[%min3A_45, %dma_wait3A_248] : memref<100000x256xf32, #tpu.memory_space<hbm>> -> memref<200x256xf32, #tpu.memory_space<hbm>>
    %dma_wait3A_250 = arith.constant 0 : i32
    %dma_wait3A_251 = tpu.memref_slice %arg3[%min3A_45, %dma_wait3A_250] : memref<100000x256xf32, #tpu.memory_space<hbm>> -> memref<200x256xf32, #tpu.memory_space<hbm>>
    tpu.wait_dma2 semaphore(%arg8 : memref<!tpu.dma_semaphore, #tpu.memory_space<semaphore_mem>>) src(%arg4 : memref<200x256xf32, #tpu.memory_space<vmem>>) dst(%dma_wait3A_251 : memref<200x256xf32, #tpu.memory_space<hbm>>)
    %dma_start3A_252 = arith.constant 0 : i32
    %dma_start3A_253 = tpu.memref_slice %arg2[%min3A_53, %dma_start3A_252] : memref<100000x256xf32, #tpu.memory_space<hbm>> -> memref<200x256xf32, #tpu.memory_space<hbm>>
    %dma_start3A_254 = arith.constant 0 : i32
    %dma_start3A_255 = tpu.memref_slice %arg2[%min3A_53, %dma_start3A_254] : memref<100000x256xf32, #tpu.memory_space<hbm>> -> memref<200x256xf32, #tpu.memory_space<hbm>>
    tpu.enqueue_dma source(%dma_start3A_255 : memref<200x256xf32, #tpu.memory_space<hbm>>) target(%arg4 : memref<200x256xf32, #tpu.memory_space<vmem>>) target_semaphore(%arg6 : memref<!tpu.dma_semaphore, #tpu.memory_space<semaphore_mem>>)
    %dma_wait3A_256 = arith.constant 0 : i32
    %dma_wait3A_257 = tpu.memref_slice %arg2[%min3A_53, %dma_wait3A_256] : memref<100000x256xf32, #tpu.memory_space<hbm>> -> memref<200x256xf32, #tpu.memory_space<hbm>>
    %dma_wait3A_258 = arith.constant 0 : i32
    %dma_wait3A_259 = tpu.memref_slice %arg2[%min3A_53, %dma_wait3A_258] : memref<100000x256xf32, #tpu.memory_space<hbm>> -> memref<200x256xf32, #tpu.memory_space<hbm>>
    tpu.wait_dma2 semaphore(%arg6 : memref<!tpu.dma_semaphore, #tpu.memory_space<semaphore_mem>>) src(%dma_wait3A_259 : memref<200x256xf32, #tpu.memory_space<hbm>>) dst(%arg4 : memref<200x256xf32, #tpu.memory_space<vmem>>)
    %dma_start3A_260 = arith.constant 0 : i32
    %dma_start3A_261 = tpu.memref_slice %arg3[%min3A_53, %dma_start3A_260] : memref<100000x256xf32, #tpu.memory_space<hbm>> -> memref<200x256xf32, #tpu.memory_space<hbm>>
    %dma_start3A_262 = arith.constant 0 : i32
    %dma_start3A_263 = tpu.memref_slice %arg3[%min3A_53, %dma_start3A_262] : memref<100000x256xf32, #tpu.memory_space<hbm>> -> memref<200x256xf32, #tpu.memory_space<hbm>>
    tpu.enqueue_dma source(%arg4 : memref<200x256xf32, #tpu.memory_space<vmem>>) target(%dma_start3A_263 : memref<200x256xf32, #tpu.memory_space<hbm>>) target_semaphore(%arg8 : memref<!tpu.dma_semaphore, #tpu.memory_space<semaphore_mem>>)
    %dma_wait3A_264 = arith.constant 0 : i32
    %dma_wait3A_265 = tpu.memref_slice %arg3[%min3A_49, %dma_wait3A_264] : memref<100000x256xf32, #tpu.memory_space<hbm>> -> memref<200x256xf32, #tpu.memory_space<hbm>>
    %dma_wait3A_266 = arith.constant 0 : i32
    %dma_wait3A_267 = tpu.memref_slice %arg3[%min3A_49, %dma_wait3A_266] : memref<100000x256xf32, #tpu.memory_space<hbm>> -> memref<200x256xf32, #tpu.memory_space<hbm>>
    tpu.wait_dma2 semaphore(%arg9 : memref<!tpu.dma_semaphore, #tpu.memory_space<semaphore_mem>>) src(%arg5 : memref<200x256xf32, #tpu.memory_space<vmem>>) dst(%dma_wait3A_267 : memref<200x256xf32, #tpu.memory_space<hbm>>)
    %dma_start3A_268 = arith.constant 0 : i32
    %dma_start3A_269 = tpu.memref_slice %arg2[%min3A_57, %dma_start3A_268] : memref<100000x256xf32, #tpu.memory_space<hbm>> -> memref<200x256xf32, #tpu.memory_space<hbm>>
    %dma_start3A_270 = arith.constant 0 : i32
    %dma_start3A_271 = tpu.memref_slice %arg2[%min3A_57, %dma_start3A_270] : memref<100000x256xf32, #tpu.memory_space<hbm>> -> memref<200x256xf32, #tpu.memory_space<hbm>>
    tpu.enqueue_dma source(%dma_start3A_271 : memref<200x256xf32, #tpu.memory_space<hbm>>) target(%arg5 : memref<200x256xf32, #tpu.memory_space<vmem>>) target_semaphore(%arg7 : memref<!tpu.dma_semaphore, #tpu.memory_space<semaphore_mem>>)
    %dma_wait3A_272 = arith.constant 0 : i32
    %dma_wait3A_273 = tpu.memref_slice %arg2[%min3A_57, %dma_wait3A_272] : memref<100000x256xf32, #tpu.memory_space<hbm>> -> memref<200x256xf32, #tpu.memory_space<hbm>>
    %dma_wait3A_274 = arith.constant 0 : i32
    %dma_wait3A_275 = tpu.memref_slice %arg2[%min3A_57, %dma_wait3A_274] : memref<100000x256xf32, #tpu.memory_space<hbm>> -> memref<200x256xf32, #tpu.memory_space<hbm>>
    tpu.wait_dma2 semaphore(%arg7 : memref<!tpu.dma_semaphore, #tpu.memory_space<semaphore_mem>>) src(%dma_wait3A_275 : memref<200x256xf32, #tpu.memory_space<hbm>>) dst(%arg5 : memref<200x256xf32, #tpu.memory_space<vmem>>)
    %dma_start3A_276 = arith.constant 0 : i32
    %dma_start3A_277 = tpu.memref_slice %arg3[%min3A_57, %dma_start3A_276] : memref<100000x256xf32, #tpu.memory_space<hbm>> -> memref<200x256xf32, #tpu.memory_space<hbm>>
    %dma_start3A_278 = arith.constant 0 : i32
    %dma_start3A_279 = tpu.memref_slice %arg3[%min3A_57, %dma_start3A_278] : memref<100000x256xf32, #tpu.memory_space<hbm>> -> memref<200x256xf32, #tpu.memory_space<hbm>>
    tpu.enqueue_dma source(%arg5 : memref<200x256xf32, #tpu.memory_space<vmem>>) target(%dma_start3A_279 : memref<200x256xf32, #tpu.memory_space<hbm>>) target_semaphore(%arg9 : memref<!tpu.dma_semaphore, #tpu.memory_space<semaphore_mem>>)
    %dma_wait3A_280 = arith.constant 0 : i32
    %dma_wait3A_281 = tpu.memref_slice %arg3[%min3A_53, %dma_wait3A_280] : memref<100000x256xf32, #tpu.memory_space<hbm>> -> memref<200x256xf32, #tpu.memory_space<hbm>>
    %dma_wait3A_282 = arith.constant 0 : i32
    %dma_wait3A_283 = tpu.memref_slice %arg3[%min3A_53, %dma_wait3A_282] : memref<100000x256xf32, #tpu.memory_space<hbm>> -> memref<200x256xf32, #tpu.memory_space<hbm>>
    tpu.wait_dma2 semaphore(%arg8 : memref<!tpu.dma_semaphore, #tpu.memory_space<semaphore_mem>>) src(%arg4 : memref<200x256xf32, #tpu.memory_space<vmem>>) dst(%dma_wait3A_283 : memref<200x256xf32, #tpu.memory_space<hbm>>)
    %dma_start3A_284 = arith.constant 0 : i32
    %dma_start3A_285 = tpu.memref_slice %arg2[%min3A_61, %dma_start3A_284] : memref<100000x256xf32, #tpu.memory_space<hbm>> -> memref<200x256xf32, #tpu.memory_space<hbm>>
    %dma_start3A_286 = arith.constant 0 : i32
    %dma_start3A_287 = tpu.memref_slice %arg2[%min3A_61, %dma_start3A_286] : memref<100000x256xf32, #tpu.memory_space<hbm>> -> memref<200x256xf32, #tpu.memory_space<hbm>>
    tpu.enqueue_dma source(%dma_start3A_287 : memref<200x256xf32, #tpu.memory_space<hbm>>) target(%arg4 : memref<200x256xf32, #tpu.memory_space<vmem>>) target_semaphore(%arg6 : memref<!tpu.dma_semaphore, #tpu.memory_space<semaphore_mem>>)
    %dma_wait3A_288 = arith.constant 0 : i32
    %dma_wait3A_289 = tpu.memref_slice %arg2[%min3A_61, %dma_wait3A_288] : memref<100000x256xf32, #tpu.memory_space<hbm>> -> memref<200x256xf32, #tpu.memory_space<hbm>>
    %dma_wait3A_290 = arith.constant 0 : i32
    %dma_wait3A_291 = tpu.memref_slice %arg2[%min3A_61, %dma_wait3A_290] : memref<100000x256xf32, #tpu.memory_space<hbm>> -> memref<200x256xf32, #tpu.memory_space<hbm>>
    tpu.wait_dma2 semaphore(%arg6 : memref<!tpu.dma_semaphore, #tpu.memory_space<semaphore_mem>>) src(%dma_wait3A_291 : memref<200x256xf32, #tpu.memory_space<hbm>>) dst(%arg4 : memref<200x256xf32, #tpu.memory_space<vmem>>)
    %dma_start3A_292 = arith.constant 0 : i32
    %dma_start3A_293 = tpu.memref_slice %arg3[%min3A_61, %dma_start3A_292] : memref<100000x256xf32, #tpu.memory_space<hbm>> -> memref<200x256xf32, #tpu.memory_space<hbm>>
    %dma_start3A_294 = arith.constant 0 : i32
    %dma_start3A_295 = tpu.memref_slice %arg3[%min3A_61, %dma_start3A_294] : memref<100000x256xf32, #tpu.memory_space<hbm>> -> memref<200x256xf32, #tpu.memory_space<hbm>>
    tpu.enqueue_dma source(%arg4 : memref<200x256xf32, #tpu.memory_space<vmem>>) target(%dma_start3A_295 : memref<200x256xf32, #tpu.memory_space<hbm>>) target_semaphore(%arg8 : memref<!tpu.dma_semaphore, #tpu.memory_space<semaphore_mem>>)
    %dma_wait3A_296 = arith.constant 0 : i32
    %dma_wait3A_297 = tpu.memref_slice %arg3[%min3A_57, %dma_wait3A_296] : memref<100000x256xf32, #tpu.memory_space<hbm>> -> memref<200x256xf32, #tpu.memory_space<hbm>>
    %dma_wait3A_298 = arith.constant 0 : i32
    %dma_wait3A_299 = tpu.memref_slice %arg3[%min3A_57, %dma_wait3A_298] : memref<100000x256xf32, #tpu.memory_space<hbm>> -> memref<200x256xf32, #tpu.memory_space<hbm>>
    tpu.wait_dma2 semaphore(%arg9 : memref<!tpu.dma_semaphore, #tpu.memory_space<semaphore_mem>>) src(%arg5 : memref<200x256xf32, #tpu.memory_space<vmem>>) dst(%dma_wait3A_299 : memref<200x256xf32, #tpu.memory_space<hbm>>)
    %dma_start3A_300 = arith.constant 0 : i32
    %dma_start3A_301 = tpu.memref_slice %arg2[%min3A_65, %dma_start3A_300] : memref<100000x256xf32, #tpu.memory_space<hbm>> -> memref<200x256xf32, #tpu.memory_space<hbm>>
    %dma_start3A_302 = arith.constant 0 : i32
    %dma_start3A_303 = tpu.memref_slice %arg2[%min3A_65, %dma_start3A_302] : memref<100000x256xf32, #tpu.memory_space<hbm>> -> memref<200x256xf32, #tpu.memory_space<hbm>>
    tpu.enqueue_dma source(%dma_start3A_303 : memref<200x256xf32, #tpu.memory_space<hbm>>) target(%arg5 : memref<200x256xf32, #tpu.memory_space<vmem>>) target_semaphore(%arg7 : memref<!tpu.dma_semaphore, #tpu.memory_space<semaphore_mem>>)
    %dma_wait3A_304 = arith.constant 0 : i32
    %dma_wait3A_305 = tpu.memref_slice %arg2[%min3A_65, %dma_wait3A_304] : memref<100000x256xf32, #tpu.memory_space<hbm>> -> memref<200x256xf32, #tpu.memory_space<hbm>>
    %dma_wait3A_306 = arith.constant 0 : i32
    %dma_wait3A_307 = tpu.memref_slice %arg2[%min3A_65, %dma_wait3A_306] : memref<100000x256xf32, #tpu.memory_space<hbm>> -> memref<200x256xf32, #tpu.memory_space<hbm>>
    tpu.wait_dma2 semaphore(%arg7 : memref<!tpu.dma_semaphore, #tpu.memory_space<semaphore_mem>>) src(%dma_wait3A_307 : memref<200x256xf32, #tpu.memory_space<hbm>>) dst(%arg5 : memref<200x256xf32, #tpu.memory_space<vmem>>)
    %dma_start3A_308 = arith.constant 0 : i32
    %dma_start3A_309 = tpu.memref_slice %arg3[%min3A_65, %dma_start3A_308] : memref<100000x256xf32, #tpu.memory_space<hbm>> -> memref<200x256xf32, #tpu.memory_space<hbm>>
    %dma_start3A_310 = arith.constant 0 : i32
    %dma_start3A_311 = tpu.memref_slice %arg3[%min3A_65, %dma_start3A_310] : memref<100000x256xf32, #tpu.memory_space<hbm>> -> memref<200x256xf32, #tpu.memory_space<hbm>>
    tpu.enqueue_dma source(%arg5 : memref<200x256xf32, #tpu.memory_space<vmem>>) target(%dma_start3A_311 : memref<200x256xf32, #tpu.memory_space<hbm>>) target_semaphore(%arg9 : memref<!tpu.dma_semaphore, #tpu.memory_space<semaphore_mem>>)
    %dma_wait3A_312 = arith.constant 0 : i32
    %dma_wait3A_313 = tpu.memref_slice %arg3[%min3A_61, %dma_wait3A_312] : memref<100000x256xf32, #tpu.memory_space<hbm>> -> memref<200x256xf32, #tpu.memory_space<hbm>>
    %dma_wait3A_314 = arith.constant 0 : i32
    %dma_wait3A_315 = tpu.memref_slice %arg3[%min3A_61, %dma_wait3A_314] : memref<100000x256xf32, #tpu.memory_space<hbm>> -> memref<200x256xf32, #tpu.memory_space<hbm>>
    tpu.wait_dma2 semaphore(%arg8 : memref<!tpu.dma_semaphore, #tpu.memory_space<semaphore_mem>>) src(%arg4 : memref<200x256xf32, #tpu.memory_space<vmem>>) dst(%dma_wait3A_315 : memref<200x256xf32, #tpu.memory_space<hbm>>)
    %dma_wait3A_316 = arith.constant 0 : i32
    %dma_wait3A_317 = tpu.memref_slice %arg3[%min3A_65, %dma_wait3A_316] : memref<100000x256xf32, #tpu.memory_space<hbm>> -> memref<200x256xf32, #tpu.memory_space<hbm>>
    %dma_wait3A_318 = arith.constant 0 : i32
    %dma_wait3A_319 = tpu.memref_slice %arg3[%min3A_65, %dma_wait3A_318] : memref<100000x256xf32, #tpu.memory_space<hbm>> -> memref<200x256xf32, #tpu.memory_space<hbm>>
    tpu.wait_dma2 semaphore(%arg9 : memref<!tpu.dma_semaphore, #tpu.memory_space<semaphore_mem>>) src(%arg5 : memref<200x256xf32, #tpu.memory_space<vmem>>) dst(%dma_wait3A_319 : memref<200x256xf32, #tpu.memory_space<hbm>>)
    return
  }
}

module attributes {stable_mosaic.version = 14 : i64} {
  func.func @_tc_main_body(%arg0: memref<2xi32, #tpu.memory_space<smem>>, %arg1: memref<1xf32, #tpu.memory_space<smem>>, %arg2: memref<1x64xi32, #tpu.memory_space<vmem>>, %arg3: memref<100000x64xi32, #tpu.memory_space<hbm>>, %arg4: memref<8x12500xi32, #tpu.memory_space<vmem>>, %arg5: memref<8x12500xf32, #tpu.memory_space<vmem>>, %arg6: memref<100000x64xi32, #tpu.memory_space<hbm>>, %arg7: memref<8x12500xi32, #tpu.memory_space<vmem>>, %arg8: memref<8x12500xf32, #tpu.memory_space<vmem>>, %arg9: memref<8x64xi32, #tpu.memory_space<vmem>>, %arg10: memref<10000x64xi32, #tpu.memory_space<vmem>>, %arg11: memref<10000x64xi32, #tpu.memory_space<vmem>>, %arg12: memref<10000x64xi32, #tpu.memory_space<vmem>>, %arg13: memref<10000x64xi32, #tpu.memory_space<vmem>>, %arg14: memref<4x!tpu.dma_semaphore, #tpu.memory_space<semaphore_mem>>, %arg15: memref<4x!tpu.dma_semaphore, #tpu.memory_space<semaphore_mem>>, %arg16: memref<!tpu.dma_semaphore, #tpu.memory_space<semaphore_mem>>) attributes {dimension_semantics = [], scalar_prefetch = 0 : i64, scratch_operands = 8 : i64, tpu.core_type = #tpu.core_type<tc>} {
    %get3A = arith.constant 0 : index
    %get3A_0 = memref.load %arg0[%get3A] : memref<2xi32, #tpu.memory_space<smem>>
    %jit3A = arith.constant 8 : i32
    %div3A = arith.divsi %get3A_0, %jit3A : i32
    %sign3A = arith.constant 0 : i32
    %sign3A_1 = arith.cmpi sgt, %get3A_0, %sign3A : i32
    %sign3A_2 = arith.extui %sign3A_1 : i1 to i32
    %sign3A_3 = arith.constant 0 : i32
    %sign3A_4 = arith.cmpi slt, %get3A_0, %sign3A_3 : i32
    %sign3A_5 = arith.extui %sign3A_4 : i1 to i32
    %sign3A_6 = arith.subi %sign3A_2, %sign3A_5 : i32
    %sign3A_7 = arith.constant 0 : i32
    %sign3A_8 = arith.cmpi sgt, %jit3A, %sign3A_7 : i32
    %sign3A_9 = arith.extui %sign3A_8 : i1 to i32
    %sign3A_10 = arith.constant 0 : i32
    %sign3A_11 = arith.cmpi slt, %jit3A, %sign3A_10 : i32
    %sign3A_12 = arith.extui %sign3A_11 : i1 to i32
    %sign3A_13 = arith.subi %sign3A_9, %sign3A_12 : i32
    %ne3A = arith.cmpi ne, %sign3A_6, %sign3A_13 : i32
    %rem3A = arith.remsi %get3A_0, %jit3A : i32
    %ne3A_14 = arith.constant 0 : i32
    %ne3A_15 = arith.cmpi ne, %rem3A, %ne3A_14 : i32
    %and3A = arith.andi %ne3A, %ne3A_15 : i1
    %sub3A = arith.constant 1 : i32
    %sub3A_16 = arith.subi %div3A, %sub3A : i32
    %select_n3A = arith.select %and3A, %sub3A_16, %div3A : i32
    %mul3A = arith.constant 8 : i32
    %mul3A_17 = arith.muli %select_n3A, %mul3A : i32
    %multiple_of3A = tpu.assume_multiple %mul3A_17, 8 : i32
    %sub3A_18 = arith.subi %get3A_0, %multiple_of3A : i32
    %dma_start3A = arith.constant 0 : i32
    %dma_start3A_19 = tpu.memref_slice %arg3[%multiple_of3A, %dma_start3A] : memref<100000x64xi32, #tpu.memory_space<hbm>> -> memref<8x64xi32, #tpu.memory_space<hbm>>
    tpu.enqueue_dma source(%dma_start3A_19 : memref<8x64xi32, #tpu.memory_space<hbm>>) target(%arg9 : memref<8x64xi32, #tpu.memory_space<vmem>>) target_semaphore(%arg16 : memref<!tpu.dma_semaphore, #tpu.memory_space<semaphore_mem>>)
    %dma_start3A_20 = arith.constant 0 : i32
    %dma_start3A_21 = tpu.memref_slice %arg14[%dma_start3A_20] : memref<4x!tpu.dma_semaphore, #tpu.memory_space<semaphore_mem>> -> memref<1x!tpu.dma_semaphore, #tpu.memory_space<semaphore_mem>>
    %dma_start3A_22 = tpu.memref_squeeze %dma_start3A_21 : memref<1x!tpu.dma_semaphore, #tpu.memory_space<semaphore_mem>> -> memref<!tpu.dma_semaphore, #tpu.memory_space<semaphore_mem>>
    %dma_start3A_23 = arith.constant 0 : i32
    %dma_start3A_24 = arith.constant 0 : i32
    %dma_start3A_25 = tpu.memref_slice %arg3[%dma_start3A_23, %dma_start3A_24] : memref<100000x64xi32, #tpu.memory_space<hbm>> -> memref<10000x64xi32, #tpu.memory_space<hbm>>
    tpu.enqueue_dma source(%dma_start3A_25 : memref<10000x64xi32, #tpu.memory_space<hbm>>) target(%arg10 : memref<10000x64xi32, #tpu.memory_space<vmem>>) target_semaphore(%dma_start3A_22 : memref<!tpu.dma_semaphore, #tpu.memory_space<semaphore_mem>>)
    %dma_start3A_26 = arith.constant 1 : i32
    %dma_start3A_27 = tpu.memref_slice %arg14[%dma_start3A_26] : memref<4x!tpu.dma_semaphore, #tpu.memory_space<semaphore_mem>> -> memref<1x!tpu.dma_semaphore, #tpu.memory_space<semaphore_mem>>
    %dma_start3A_28 = tpu.memref_squeeze %dma_start3A_27 : memref<1x!tpu.dma_semaphore, #tpu.memory_space<semaphore_mem>> -> memref<!tpu.dma_semaphore, #tpu.memory_space<semaphore_mem>>
    %dma_start3A_29 = arith.constant 10000 : i32
    %dma_start3A_30 = arith.constant 0 : i32
    %dma_start3A_31 = tpu.memref_slice %arg3[%dma_start3A_29, %dma_start3A_30] : memref<100000x64xi32, #tpu.memory_space<hbm>> -> memref<10000x64xi32, #tpu.memory_space<hbm>>
    tpu.enqueue_dma source(%dma_start3A_31 : memref<10000x64xi32, #tpu.memory_space<hbm>>) target(%arg11 : memref<10000x64xi32, #tpu.memory_space<vmem>>) target_semaphore(%dma_start3A_28 : memref<!tpu.dma_semaphore, #tpu.memory_space<semaphore_mem>>)
    %dma_start3A_32 = arith.constant 2 : i32
    %dma_start3A_33 = tpu.memref_slice %arg14[%dma_start3A_32] : memref<4x!tpu.dma_semaphore, #tpu.memory_space<semaphore_mem>> -> memref<1x!tpu.dma_semaphore, #tpu.memory_space<semaphore_mem>>
    %dma_start3A_34 = tpu.memref_squeeze %dma_start3A_33 : memref<1x!tpu.dma_semaphore, #tpu.memory_space<semaphore_mem>> -> memref<!tpu.dma_semaphore, #tpu.memory_space<semaphore_mem>>
    %dma_start3A_35 = arith.constant 20000 : i32
    %dma_start3A_36 = arith.constant 0 : i32
    %dma_start3A_37 = tpu.memref_slice %arg3[%dma_start3A_35, %dma_start3A_36] : memref<100000x64xi32, #tpu.memory_space<hbm>> -> memref<10000x64xi32, #tpu.memory_space<hbm>>
    tpu.enqueue_dma source(%dma_start3A_37 : memref<10000x64xi32, #tpu.memory_space<hbm>>) target(%arg12 : memref<10000x64xi32, #tpu.memory_space<vmem>>) target_semaphore(%dma_start3A_34 : memref<!tpu.dma_semaphore, #tpu.memory_space<semaphore_mem>>)
    %dma_start3A_38 = arith.constant 3 : i32
    %dma_start3A_39 = tpu.memref_slice %arg14[%dma_start3A_38] : memref<4x!tpu.dma_semaphore, #tpu.memory_space<semaphore_mem>> -> memref<1x!tpu.dma_semaphore, #tpu.memory_space<semaphore_mem>>
    %dma_start3A_40 = tpu.memref_squeeze %dma_start3A_39 : memref<1x!tpu.dma_semaphore, #tpu.memory_space<semaphore_mem>> -> memref<!tpu.dma_semaphore, #tpu.memory_space<semaphore_mem>>
    %dma_start3A_41 = arith.constant 30000 : i32
    %dma_start3A_42 = arith.constant 0 : i32
    %dma_start3A_43 = tpu.memref_slice %arg3[%dma_start3A_41, %dma_start3A_42] : memref<100000x64xi32, #tpu.memory_space<hbm>> -> memref<10000x64xi32, #tpu.memory_space<hbm>>
    tpu.enqueue_dma source(%dma_start3A_43 : memref<10000x64xi32, #tpu.memory_space<hbm>>) target(%arg13 : memref<10000x64xi32, #tpu.memory_space<vmem>>) target_semaphore(%dma_start3A_40 : memref<!tpu.dma_semaphore, #tpu.memory_space<semaphore_mem>>)
    %iota3A = tpu.iota {dimensions = array<i32: 0>} : vector<8x12500xi32>
    %mul3A_44 = arith.constant 12500 : i32
    %mul3A_45 = vector.broadcast %mul3A_44 : i32 to vector<8x12500xi32>
    %mul3A_46 = arith.muli %iota3A, %mul3A_45 : vector<8x12500xi32>
    %iota3A_47 = tpu.iota {dimensions = array<i32: 1>} : vector<8x12500xi32>
    %add3A = arith.addi %mul3A_46, %iota3A_47 : vector<8x12500xi32>
    %eq3A = vector.broadcast %get3A_0 : i32 to vector<8x12500xi32>
    %eq3A_48 = arith.cmpi eq, %add3A, %eq3A : vector<8x12500xi32>
    %get3A_49 = arith.constant 1 : index
    %get3A_50 = memref.load %arg0[%get3A_49] : memref<2xi32, #tpu.memory_space<smem>>
    %get3A_51 = arith.constant 0 : index
    %get3A_52 = arith.constant 0 : index
    %get3A_53 = vector.load %arg4[%get3A_51, %get3A_52] : memref<8x12500xi32, #tpu.memory_space<vmem>>, vector<8x12500xi32>
    %broadcast_in_dim3A = vector.broadcast %get3A_50 : i32 to vector<8x12500xi32>
    %select_n3A_54 = arith.select %eq3A_48, %broadcast_in_dim3A, %get3A_53 : vector<8x12500xi1>, vector<8x12500xi32>
    %swap3A = arith.constant 0 : index
    %swap3A_55 = arith.constant 0 : index
    %swap3A_56 = vector.load %arg7[%swap3A, %swap3A_55] : memref<8x12500xi32, #tpu.memory_space<vmem>>, vector<8x12500xi32>
    tpu.vector_store %arg7[%swap3A, %swap3A_55], %select_n3A_54 {strides = array<i32>} : memref<8x12500xi32, #tpu.memory_space<vmem>>, vector<8x12500xi32>,
    %eq3A_57 = vector.broadcast %get3A_0 : i32 to vector<8x12500xi32>
    %eq3A_58 = arith.cmpi eq, %add3A, %eq3A_57 : vector<8x12500xi32>
    %get3A_59 = arith.constant 0 : index
    %get3A_60 = memref.load %arg1[%get3A_59] : memref<1xf32, #tpu.memory_space<smem>>
    %get3A_61 = arith.constant 0 : index
    %get3A_62 = arith.constant 0 : index
    %get3A_63 = vector.load %arg5[%get3A_61, %get3A_62] : memref<8x12500xf32, #tpu.memory_space<vmem>>, vector<8x12500xf32>
    %broadcast_in_dim3A_64 = vector.broadcast %get3A_60 : f32 to vector<8x12500xf32>
    %select_n3A_65 = arith.select %eq3A_58, %broadcast_in_dim3A_64, %get3A_63 : vector<8x12500xi1>, vector<8x12500xf32>
    %swap3A_66 = arith.constant 0 : index
    %swap3A_67 = arith.constant 0 : index
    %swap3A_68 = vector.load %arg8[%swap3A_66, %swap3A_67] : memref<8x12500xf32, #tpu.memory_space<vmem>>, vector<8x12500xf32>
    tpu.vector_store %arg8[%swap3A_66, %swap3A_67], %select_n3A_65 {strides = array<i32>} : memref<8x12500xf32, #tpu.memory_space<vmem>>, vector<8x12500xf32>,
    %dma_wait3A = arith.constant 0 : i32
    %dma_wait3A_69 = tpu.memref_slice %arg3[%multiple_of3A, %dma_wait3A] : memref<100000x64xi32, #tpu.memory_space<hbm>> -> memref<8x64xi32, #tpu.memory_space<hbm>>
    tpu.wait_dma2 semaphore(%arg16 : memref<!tpu.dma_semaphore, #tpu.memory_space<semaphore_mem>>) src(%dma_wait3A_69 : memref<8x64xi32, #tpu.memory_space<hbm>>) dst(%arg9 : memref<8x64xi32, #tpu.memory_space<vmem>>)
    %iota3A_70 = tpu.iota {dimensions = array<i32: 0>} : vector<8x64xi32>
    %eq3A_71 = vector.broadcast %sub3A_18 : i32 to vector<8x64xi32>
    %eq3A_72 = arith.cmpi eq, %iota3A_70, %eq3A_71 : vector<8x64xi32>
    %get3A_73 = arith.constant 0 : index
    %get3A_74 = arith.constant 0 : index
    %get3A_75 = vector.load %arg2[%get3A_73, %get3A_74] : memref<1x64xi32, #tpu.memory_space<vmem>>, vector<1x64xi32>
    %get3A_76 = arith.constant 0 : index
    %get3A_77 = arith.constant 0 : index
    %get3A_78 = vector.load %arg9[%get3A_76, %get3A_77] : memref<8x64xi32, #tpu.memory_space<vmem>>, vector<8x64xi32>
    %broadcast_in_dim3A_79 = vector.shape_cast %get3A_75 : vector<1x64xi32> to vector<1x64xi32>
    %broadcast_in_dim3A_80 = vector.broadcast %broadcast_in_dim3A_79 : vector<1x64xi32> to vector<8x64xi32>
    %select_n3A_81 = arith.select %eq3A_72, %broadcast_in_dim3A_80, %get3A_78 : vector<8x64xi1>, vector<8x64xi32>
    %swap3A_82 = arith.constant 0 : index
    %swap3A_83 = arith.constant 0 : index
    %swap3A_84 = vector.load %arg9[%swap3A_82, %swap3A_83] : memref<8x64xi32, #tpu.memory_space<vmem>>, vector<8x64xi32>
    tpu.vector_store %arg9[%swap3A_82, %swap3A_83], %select_n3A_81 {strides = array<i32>} : memref<8x64xi32, #tpu.memory_space<vmem>>, vector<8x64xi32>,
    %dma_wait3A_85 = arith.constant 0 : i32
    %dma_wait3A_86 = tpu.memref_slice %arg14[%dma_wait3A_85] : memref<4x!tpu.dma_semaphore, #tpu.memory_space<semaphore_mem>> -> memref<1x!tpu.dma_semaphore, #tpu.memory_space<semaphore_mem>>
    %dma_wait3A_87 = tpu.memref_squeeze %dma_wait3A_86 : memref<1x!tpu.dma_semaphore, #tpu.memory_space<semaphore_mem>> -> memref<!tpu.dma_semaphore, #tpu.memory_space<semaphore_mem>>
    %dma_wait3A_88 = arith.constant 0 : i32
    %dma_wait3A_89 = arith.constant 0 : i32
    %dma_wait3A_90 = tpu.memref_slice %arg3[%dma_wait3A_88, %dma_wait3A_89] : memref<100000x64xi32, #tpu.memory_space<hbm>> -> memref<10000x64xi32, #tpu.memory_space<hbm>>
    tpu.wait_dma2 semaphore(%dma_wait3A_87 : memref<!tpu.dma_semaphore, #tpu.memory_space<semaphore_mem>>) src(%dma_wait3A_90 : memref<10000x64xi32, #tpu.memory_space<hbm>>) dst(%arg10 : memref<10000x64xi32, #tpu.memory_space<vmem>>)
    %dma_start3A_91 = arith.constant 0 : i32
    %dma_start3A_92 = tpu.memref_slice %arg15[%dma_start3A_91] : memref<4x!tpu.dma_semaphore, #tpu.memory_space<semaphore_mem>> -> memref<1x!tpu.dma_semaphore, #tpu.memory_space<semaphore_mem>>
    %dma_start3A_93 = tpu.memref_squeeze %dma_start3A_92 : memref<1x!tpu.dma_semaphore, #tpu.memory_space<semaphore_mem>> -> memref<!tpu.dma_semaphore, #tpu.memory_space<semaphore_mem>>
    %dma_start3A_94 = arith.constant 0 : i32
    %dma_start3A_95 = arith.constant 0 : i32
    %dma_start3A_96 = tpu.memref_slice %arg6[%dma_start3A_94, %dma_start3A_95] : memref<100000x64xi32, #tpu.memory_space<hbm>> -> memref<10000x64xi32, #tpu.memory_space<hbm>>
    tpu.enqueue_dma source(%arg10 : memref<10000x64xi32, #tpu.memory_space<vmem>>) target(%dma_start3A_96 : memref<10000x64xi32, #tpu.memory_space<hbm>>) target_semaphore(%dma_start3A_93 : memref<!tpu.dma_semaphore, #tpu.memory_space<semaphore_mem>>)
    %dma_wait3A_97 = arith.constant 1 : i32
    %dma_wait3A_98 = tpu.memref_slice %arg14[%dma_wait3A_97] : memref<4x!tpu.dma_semaphore, #tpu.memory_space<semaphore_mem>> -> memref<1x!tpu.dma_semaphore, #tpu.memory_space<semaphore_mem>>
    %dma_wait3A_99 = tpu.memref_squeeze %dma_wait3A_98 : memref<1x!tpu.dma_semaphore, #tpu.memory_space<semaphore_mem>> -> memref<!tpu.dma_semaphore, #tpu.memory_space<semaphore_mem>>
    %dma_wait3A_100 = arith.constant 10000 : i32
    %dma_wait3A_101 = arith.constant 0 : i32
    %dma_wait3A_102 = tpu.memref_slice %arg3[%dma_wait3A_100, %dma_wait3A_101] : memref<100000x64xi32, #tpu.memory_space<hbm>> -> memref<10000x64xi32, #tpu.memory_space<hbm>>
    tpu.wait_dma2 semaphore(%dma_wait3A_99 : memref<!tpu.dma_semaphore, #tpu.memory_space<semaphore_mem>>) src(%dma_wait3A_102 : memref<10000x64xi32, #tpu.memory_space<hbm>>) dst(%arg11 : memref<10000x64xi32, #tpu.memory_space<vmem>>)
    %dma_start3A_103 = arith.constant 1 : i32
    %dma_start3A_104 = tpu.memref_slice %arg15[%dma_start3A_103] : memref<4x!tpu.dma_semaphore, #tpu.memory_space<semaphore_mem>> -> memref<1x!tpu.dma_semaphore, #tpu.memory_space<semaphore_mem>>
    %dma_start3A_105 = tpu.memref_squeeze %dma_start3A_104 : memref<1x!tpu.dma_semaphore, #tpu.memory_space<semaphore_mem>> -> memref<!tpu.dma_semaphore, #tpu.memory_space<semaphore_mem>>
    %dma_start3A_106 = arith.constant 10000 : i32
    %dma_start3A_107 = arith.constant 0 : i32
    %dma_start3A_108 = tpu.memref_slice %arg6[%dma_start3A_106, %dma_start3A_107] : memref<100000x64xi32, #tpu.memory_space<hbm>> -> memref<10000x64xi32, #tpu.memory_space<hbm>>
    tpu.enqueue_dma source(%arg11 : memref<10000x64xi32, #tpu.memory_space<vmem>>) target(%dma_start3A_108 : memref<10000x64xi32, #tpu.memory_space<hbm>>) target_semaphore(%dma_start3A_105 : memref<!tpu.dma_semaphore, #tpu.memory_space<semaphore_mem>>)
    %dma_wait3A_109 = arith.constant 2 : i32
    %dma_wait3A_110 = tpu.memref_slice %arg14[%dma_wait3A_109] : memref<4x!tpu.dma_semaphore, #tpu.memory_space<semaphore_mem>> -> memref<1x!tpu.dma_semaphore, #tpu.memory_space<semaphore_mem>>
    %dma_wait3A_111 = tpu.memref_squeeze %dma_wait3A_110 : memref<1x!tpu.dma_semaphore, #tpu.memory_space<semaphore_mem>> -> memref<!tpu.dma_semaphore, #tpu.memory_space<semaphore_mem>>
    %dma_wait3A_112 = arith.constant 20000 : i32
    %dma_wait3A_113 = arith.constant 0 : i32
    %dma_wait3A_114 = tpu.memref_slice %arg3[%dma_wait3A_112, %dma_wait3A_113] : memref<100000x64xi32, #tpu.memory_space<hbm>> -> memref<10000x64xi32, #tpu.memory_space<hbm>>
    tpu.wait_dma2 semaphore(%dma_wait3A_111 : memref<!tpu.dma_semaphore, #tpu.memory_space<semaphore_mem>>) src(%dma_wait3A_114 : memref<10000x64xi32, #tpu.memory_space<hbm>>) dst(%arg12 : memref<10000x64xi32, #tpu.memory_space<vmem>>)
    %dma_start3A_115 = arith.constant 2 : i32
    %dma_start3A_116 = tpu.memref_slice %arg15[%dma_start3A_115] : memref<4x!tpu.dma_semaphore, #tpu.memory_space<semaphore_mem>> -> memref<1x!tpu.dma_semaphore, #tpu.memory_space<semaphore_mem>>
    %dma_start3A_117 = tpu.memref_squeeze %dma_start3A_116 : memref<1x!tpu.dma_semaphore, #tpu.memory_space<semaphore_mem>> -> memref<!tpu.dma_semaphore, #tpu.memory_space<semaphore_mem>>
    %dma_start3A_118 = arith.constant 20000 : i32
    %dma_start3A_119 = arith.constant 0 : i32
    %dma_start3A_120 = tpu.memref_slice %arg6[%dma_start3A_118, %dma_start3A_119] : memref<100000x64xi32, #tpu.memory_space<hbm>> -> memref<10000x64xi32, #tpu.memory_space<hbm>>
    tpu.enqueue_dma source(%arg12 : memref<10000x64xi32, #tpu.memory_space<vmem>>) target(%dma_start3A_120 : memref<10000x64xi32, #tpu.memory_space<hbm>>) target_semaphore(%dma_start3A_117 : memref<!tpu.dma_semaphore, #tpu.memory_space<semaphore_mem>>)
    %dma_wait3A_121 = arith.constant 3 : i32
    %dma_wait3A_122 = tpu.memref_slice %arg14[%dma_wait3A_121] : memref<4x!tpu.dma_semaphore, #tpu.memory_space<semaphore_mem>> -> memref<1x!tpu.dma_semaphore, #tpu.memory_space<semaphore_mem>>
    %dma_wait3A_123 = tpu.memref_squeeze %dma_wait3A_122 : memref<1x!tpu.dma_semaphore, #tpu.memory_space<semaphore_mem>> -> memref<!tpu.dma_semaphore, #tpu.memory_space<semaphore_mem>>
    %dma_wait3A_124 = arith.constant 30000 : i32
    %dma_wait3A_125 = arith.constant 0 : i32
    %dma_wait3A_126 = tpu.memref_slice %arg3[%dma_wait3A_124, %dma_wait3A_125] : memref<100000x64xi32, #tpu.memory_space<hbm>> -> memref<10000x64xi32, #tpu.memory_space<hbm>>
    tpu.wait_dma2 semaphore(%dma_wait3A_123 : memref<!tpu.dma_semaphore, #tpu.memory_space<semaphore_mem>>) src(%dma_wait3A_126 : memref<10000x64xi32, #tpu.memory_space<hbm>>) dst(%arg13 : memref<10000x64xi32, #tpu.memory_space<vmem>>)
    %dma_start3A_127 = arith.constant 3 : i32
    %dma_start3A_128 = tpu.memref_slice %arg15[%dma_start3A_127] : memref<4x!tpu.dma_semaphore, #tpu.memory_space<semaphore_mem>> -> memref<1x!tpu.dma_semaphore, #tpu.memory_space<semaphore_mem>>
    %dma_start3A_129 = tpu.memref_squeeze %dma_start3A_128 : memref<1x!tpu.dma_semaphore, #tpu.memory_space<semaphore_mem>> -> memref<!tpu.dma_semaphore, #tpu.memory_space<semaphore_mem>>
    %dma_start3A_130 = arith.constant 30000 : i32
    %dma_start3A_131 = arith.constant 0 : i32
    %dma_start3A_132 = tpu.memref_slice %arg6[%dma_start3A_130, %dma_start3A_131] : memref<100000x64xi32, #tpu.memory_space<hbm>> -> memref<10000x64xi32, #tpu.memory_space<hbm>>
    tpu.enqueue_dma source(%arg13 : memref<10000x64xi32, #tpu.memory_space<vmem>>) target(%dma_start3A_132 : memref<10000x64xi32, #tpu.memory_space<hbm>>) target_semaphore(%dma_start3A_129 : memref<!tpu.dma_semaphore, #tpu.memory_space<semaphore_mem>>)
    %dma_wait3A_133 = arith.constant 0 : i32
    %dma_wait3A_134 = tpu.memref_slice %arg15[%dma_wait3A_133] : memref<4x!tpu.dma_semaphore, #tpu.memory_space<semaphore_mem>> -> memref<1x!tpu.dma_semaphore, #tpu.memory_space<semaphore_mem>>
    %dma_wait3A_135 = tpu.memref_squeeze %dma_wait3A_134 : memref<1x!tpu.dma_semaphore, #tpu.memory_space<semaphore_mem>> -> memref<!tpu.dma_semaphore, #tpu.memory_space<semaphore_mem>>
    %dma_wait3A_136 = arith.constant 0 : i32
    %dma_wait3A_137 = arith.constant 0 : i32
    %dma_wait3A_138 = tpu.memref_slice %arg6[%dma_wait3A_136, %dma_wait3A_137] : memref<100000x64xi32, #tpu.memory_space<hbm>> -> memref<10000x64xi32, #tpu.memory_space<hbm>>
    tpu.wait_dma2 semaphore(%dma_wait3A_135 : memref<!tpu.dma_semaphore, #tpu.memory_space<semaphore_mem>>) src(%arg10 : memref<10000x64xi32, #tpu.memory_space<vmem>>) dst(%dma_wait3A_138 : memref<10000x64xi32, #tpu.memory_space<hbm>>)
    %dma_start3A_139 = arith.constant 0 : i32
    %dma_start3A_140 = tpu.memref_slice %arg14[%dma_start3A_139] : memref<4x!tpu.dma_semaphore, #tpu.memory_space<semaphore_mem>> -> memref<1x!tpu.dma_semaphore, #tpu.memory_space<semaphore_mem>>
    %dma_start3A_141 = tpu.memref_squeeze %dma_start3A_140 : memref<1x!tpu.dma_semaphore, #tpu.memory_space<semaphore_mem>> -> memref<!tpu.dma_semaphore, #tpu.memory_space<semaphore_mem>>
    %dma_start3A_142 = arith.constant 40000 : i32
    %dma_start3A_143 = arith.constant 0 : i32
    %dma_start3A_144 = tpu.memref_slice %arg3[%dma_start3A_142, %dma_start3A_143] : memref<100000x64xi32, #tpu.memory_space<hbm>> -> memref<10000x64xi32, #tpu.memory_space<hbm>>
    tpu.enqueue_dma source(%dma_start3A_144 : memref<10000x64xi32, #tpu.memory_space<hbm>>) target(%arg10 : memref<10000x64xi32, #tpu.memory_space<vmem>>) target_semaphore(%dma_start3A_141 : memref<!tpu.dma_semaphore, #tpu.memory_space<semaphore_mem>>)
    %dma_wait3A_145 = arith.constant 0 : i32
    %dma_wait3A_146 = tpu.memref_slice %arg14[%dma_wait3A_145] : memref<4x!tpu.dma_semaphore, #tpu.memory_space<semaphore_mem>> -> memref<1x!tpu.dma_semaphore, #tpu.memory_space<semaphore_mem>>
    %dma_wait3A_147 = tpu.memref_squeeze %dma_wait3A_146 : memref<1x!tpu.dma_semaphore, #tpu.memory_space<semaphore_mem>> -> memref<!tpu.dma_semaphore, #tpu.memory_space<semaphore_mem>>
    %dma_wait3A_148 = arith.constant 40000 : i32
    %dma_wait3A_149 = arith.constant 0 : i32
    %dma_wait3A_150 = tpu.memref_slice %arg3[%dma_wait3A_148, %dma_wait3A_149] : memref<100000x64xi32, #tpu.memory_space<hbm>> -> memref<10000x64xi32, #tpu.memory_space<hbm>>
    tpu.wait_dma2 semaphore(%dma_wait3A_147 : memref<!tpu.dma_semaphore, #tpu.memory_space<semaphore_mem>>) src(%dma_wait3A_150 : memref<10000x64xi32, #tpu.memory_space<hbm>>) dst(%arg10 : memref<10000x64xi32, #tpu.memory_space<vmem>>)
    %dma_start3A_151 = arith.constant 0 : i32
    %dma_start3A_152 = tpu.memref_slice %arg15[%dma_start3A_151] : memref<4x!tpu.dma_semaphore, #tpu.memory_space<semaphore_mem>> -> memref<1x!tpu.dma_semaphore, #tpu.memory_space<semaphore_mem>>
    %dma_start3A_153 = tpu.memref_squeeze %dma_start3A_152 : memref<1x!tpu.dma_semaphore, #tpu.memory_space<semaphore_mem>> -> memref<!tpu.dma_semaphore, #tpu.memory_space<semaphore_mem>>
    %dma_start3A_154 = arith.constant 40000 : i32
    %dma_start3A_155 = arith.constant 0 : i32
    %dma_start3A_156 = tpu.memref_slice %arg6[%dma_start3A_154, %dma_start3A_155] : memref<100000x64xi32, #tpu.memory_space<hbm>> -> memref<10000x64xi32, #tpu.memory_space<hbm>>
    tpu.enqueue_dma source(%arg10 : memref<10000x64xi32, #tpu.memory_space<vmem>>) target(%dma_start3A_156 : memref<10000x64xi32, #tpu.memory_space<hbm>>) target_semaphore(%dma_start3A_153 : memref<!tpu.dma_semaphore, #tpu.memory_space<semaphore_mem>>)
    %dma_wait3A_157 = arith.constant 1 : i32
    %dma_wait3A_158 = tpu.memref_slice %arg15[%dma_wait3A_157] : memref<4x!tpu.dma_semaphore, #tpu.memory_space<semaphore_mem>> -> memref<1x!tpu.dma_semaphore, #tpu.memory_space<semaphore_mem>>
    %dma_wait3A_159 = tpu.memref_squeeze %dma_wait3A_158 : memref<1x!tpu.dma_semaphore, #tpu.memory_space<semaphore_mem>> -> memref<!tpu.dma_semaphore, #tpu.memory_space<semaphore_mem>>
    %dma_wait3A_160 = arith.constant 10000 : i32
    %dma_wait3A_161 = arith.constant 0 : i32
    %dma_wait3A_162 = tpu.memref_slice %arg6[%dma_wait3A_160, %dma_wait3A_161] : memref<100000x64xi32, #tpu.memory_space<hbm>> -> memref<10000x64xi32, #tpu.memory_space<hbm>>
    tpu.wait_dma2 semaphore(%dma_wait3A_159 : memref<!tpu.dma_semaphore, #tpu.memory_space<semaphore_mem>>) src(%arg11 : memref<10000x64xi32, #tpu.memory_space<vmem>>) dst(%dma_wait3A_162 : memref<10000x64xi32, #tpu.memory_space<hbm>>)
    %dma_start3A_163 = arith.constant 1 : i32
    %dma_start3A_164 = tpu.memref_slice %arg14[%dma_start3A_163] : memref<4x!tpu.dma_semaphore, #tpu.memory_space<semaphore_mem>> -> memref<1x!tpu.dma_semaphore, #tpu.memory_space<semaphore_mem>>
    %dma_start3A_165 = tpu.memref_squeeze %dma_start3A_164 : memref<1x!tpu.dma_semaphore, #tpu.memory_space<semaphore_mem>> -> memref<!tpu.dma_semaphore, #tpu.memory_space<semaphore_mem>>
    %dma_start3A_166 = arith.constant 50000 : i32
    %dma_start3A_167 = arith.constant 0 : i32
    %dma_start3A_168 = tpu.memref_slice %arg3[%dma_start3A_166, %dma_start3A_167] : memref<100000x64xi32, #tpu.memory_space<hbm>> -> memref<10000x64xi32, #tpu.memory_space<hbm>>
    tpu.enqueue_dma source(%dma_start3A_168 : memref<10000x64xi32, #tpu.memory_space<hbm>>) target(%arg11 : memref<10000x64xi32, #tpu.memory_space<vmem>>) target_semaphore(%dma_start3A_165 : memref<!tpu.dma_semaphore, #tpu.memory_space<semaphore_mem>>)
    %dma_wait3A_169 = arith.constant 1 : i32
    %dma_wait3A_170 = tpu.memref_slice %arg14[%dma_wait3A_169] : memref<4x!tpu.dma_semaphore, #tpu.memory_space<semaphore_mem>> -> memref<1x!tpu.dma_semaphore, #tpu.memory_space<semaphore_mem>>
    %dma_wait3A_171 = tpu.memref_squeeze %dma_wait3A_170 : memref<1x!tpu.dma_semaphore, #tpu.memory_space<semaphore_mem>> -> memref<!tpu.dma_semaphore, #tpu.memory_space<semaphore_mem>>
    %dma_wait3A_172 = arith.constant 50000 : i32
    %dma_wait3A_173 = arith.constant 0 : i32
    %dma_wait3A_174 = tpu.memref_slice %arg3[%dma_wait3A_172, %dma_wait3A_173] : memref<100000x64xi32, #tpu.memory_space<hbm>> -> memref<10000x64xi32, #tpu.memory_space<hbm>>
    tpu.wait_dma2 semaphore(%dma_wait3A_171 : memref<!tpu.dma_semaphore, #tpu.memory_space<semaphore_mem>>) src(%dma_wait3A_174 : memref<10000x64xi32, #tpu.memory_space<hbm>>) dst(%arg11 : memref<10000x64xi32, #tpu.memory_space<vmem>>)
    %dma_start3A_175 = arith.constant 1 : i32
    %dma_start3A_176 = tpu.memref_slice %arg15[%dma_start3A_175] : memref<4x!tpu.dma_semaphore, #tpu.memory_space<semaphore_mem>> -> memref<1x!tpu.dma_semaphore, #tpu.memory_space<semaphore_mem>>
    %dma_start3A_177 = tpu.memref_squeeze %dma_start3A_176 : memref<1x!tpu.dma_semaphore, #tpu.memory_space<semaphore_mem>> -> memref<!tpu.dma_semaphore, #tpu.memory_space<semaphore_mem>>
    %dma_start3A_178 = arith.constant 50000 : i32
    %dma_start3A_179 = arith.constant 0 : i32
    %dma_start3A_180 = tpu.memref_slice %arg6[%dma_start3A_178, %dma_start3A_179] : memref<100000x64xi32, #tpu.memory_space<hbm>> -> memref<10000x64xi32, #tpu.memory_space<hbm>>
    tpu.enqueue_dma source(%arg11 : memref<10000x64xi32, #tpu.memory_space<vmem>>) target(%dma_start3A_180 : memref<10000x64xi32, #tpu.memory_space<hbm>>) target_semaphore(%dma_start3A_177 : memref<!tpu.dma_semaphore, #tpu.memory_space<semaphore_mem>>)
    %dma_wait3A_181 = arith.constant 2 : i32
    %dma_wait3A_182 = tpu.memref_slice %arg15[%dma_wait3A_181] : memref<4x!tpu.dma_semaphore, #tpu.memory_space<semaphore_mem>> -> memref<1x!tpu.dma_semaphore, #tpu.memory_space<semaphore_mem>>
    %dma_wait3A_183 = tpu.memref_squeeze %dma_wait3A_182 : memref<1x!tpu.dma_semaphore, #tpu.memory_space<semaphore_mem>> -> memref<!tpu.dma_semaphore, #tpu.memory_space<semaphore_mem>>
    %dma_wait3A_184 = arith.constant 20000 : i32
    %dma_wait3A_185 = arith.constant 0 : i32
    %dma_wait3A_186 = tpu.memref_slice %arg6[%dma_wait3A_184, %dma_wait3A_185] : memref<100000x64xi32, #tpu.memory_space<hbm>> -> memref<10000x64xi32, #tpu.memory_space<hbm>>
    tpu.wait_dma2 semaphore(%dma_wait3A_183 : memref<!tpu.dma_semaphore, #tpu.memory_space<semaphore_mem>>) src(%arg12 : memref<10000x64xi32, #tpu.memory_space<vmem>>) dst(%dma_wait3A_186 : memref<10000x64xi32, #tpu.memory_space<hbm>>)
    %dma_start3A_187 = arith.constant 2 : i32
    %dma_start3A_188 = tpu.memref_slice %arg14[%dma_start3A_187] : memref<4x!tpu.dma_semaphore, #tpu.memory_space<semaphore_mem>> -> memref<1x!tpu.dma_semaphore, #tpu.memory_space<semaphore_mem>>
    %dma_start3A_189 = tpu.memref_squeeze %dma_start3A_188 : memref<1x!tpu.dma_semaphore, #tpu.memory_space<semaphore_mem>> -> memref<!tpu.dma_semaphore, #tpu.memory_space<semaphore_mem>>
    %dma_start3A_190 = arith.constant 60000 : i32
    %dma_start3A_191 = arith.constant 0 : i32
    %dma_start3A_192 = tpu.memref_slice %arg3[%dma_start3A_190, %dma_start3A_191] : memref<100000x64xi32, #tpu.memory_space<hbm>> -> memref<10000x64xi32, #tpu.memory_space<hbm>>
    tpu.enqueue_dma source(%dma_start3A_192 : memref<10000x64xi32, #tpu.memory_space<hbm>>) target(%arg12 : memref<10000x64xi32, #tpu.memory_space<vmem>>) target_semaphore(%dma_start3A_189 : memref<!tpu.dma_semaphore, #tpu.memory_space<semaphore_mem>>)
    %dma_wait3A_193 = arith.constant 2 : i32
    %dma_wait3A_194 = tpu.memref_slice %arg14[%dma_wait3A_193] : memref<4x!tpu.dma_semaphore, #tpu.memory_space<semaphore_mem>> -> memref<1x!tpu.dma_semaphore, #tpu.memory_space<semaphore_mem>>
    %dma_wait3A_195 = tpu.memref_squeeze %dma_wait3A_194 : memref<1x!tpu.dma_semaphore, #tpu.memory_space<semaphore_mem>> -> memref<!tpu.dma_semaphore, #tpu.memory_space<semaphore_mem>>
    %dma_wait3A_196 = arith.constant 60000 : i32
    %dma_wait3A_197 = arith.constant 0 : i32
    %dma_wait3A_198 = tpu.memref_slice %arg3[%dma_wait3A_196, %dma_wait3A_197] : memref<100000x64xi32, #tpu.memory_space<hbm>> -> memref<10000x64xi32, #tpu.memory_space<hbm>>
    tpu.wait_dma2 semaphore(%dma_wait3A_195 : memref<!tpu.dma_semaphore, #tpu.memory_space<semaphore_mem>>) src(%dma_wait3A_198 : memref<10000x64xi32, #tpu.memory_space<hbm>>) dst(%arg12 : memref<10000x64xi32, #tpu.memory_space<vmem>>)
    %dma_start3A_199 = arith.constant 2 : i32
    %dma_start3A_200 = tpu.memref_slice %arg15[%dma_start3A_199] : memref<4x!tpu.dma_semaphore, #tpu.memory_space<semaphore_mem>> -> memref<1x!tpu.dma_semaphore, #tpu.memory_space<semaphore_mem>>
    %dma_start3A_201 = tpu.memref_squeeze %dma_start3A_200 : memref<1x!tpu.dma_semaphore, #tpu.memory_space<semaphore_mem>> -> memref<!tpu.dma_semaphore, #tpu.memory_space<semaphore_mem>>
    %dma_start3A_202 = arith.constant 60000 : i32
    %dma_start3A_203 = arith.constant 0 : i32
    %dma_start3A_204 = tpu.memref_slice %arg6[%dma_start3A_202, %dma_start3A_203] : memref<100000x64xi32, #tpu.memory_space<hbm>> -> memref<10000x64xi32, #tpu.memory_space<hbm>>
    tpu.enqueue_dma source(%arg12 : memref<10000x64xi32, #tpu.memory_space<vmem>>) target(%dma_start3A_204 : memref<10000x64xi32, #tpu.memory_space<hbm>>) target_semaphore(%dma_start3A_201 : memref<!tpu.dma_semaphore, #tpu.memory_space<semaphore_mem>>)
    %dma_wait3A_205 = arith.constant 3 : i32
    %dma_wait3A_206 = tpu.memref_slice %arg15[%dma_wait3A_205] : memref<4x!tpu.dma_semaphore, #tpu.memory_space<semaphore_mem>> -> memref<1x!tpu.dma_semaphore, #tpu.memory_space<semaphore_mem>>
    %dma_wait3A_207 = tpu.memref_squeeze %dma_wait3A_206 : memref<1x!tpu.dma_semaphore, #tpu.memory_space<semaphore_mem>> -> memref<!tpu.dma_semaphore, #tpu.memory_space<semaphore_mem>>
    %dma_wait3A_208 = arith.constant 30000 : i32
    %dma_wait3A_209 = arith.constant 0 : i32
    %dma_wait3A_210 = tpu.memref_slice %arg6[%dma_wait3A_208, %dma_wait3A_209] : memref<100000x64xi32, #tpu.memory_space<hbm>> -> memref<10000x64xi32, #tpu.memory_space<hbm>>
    tpu.wait_dma2 semaphore(%dma_wait3A_207 : memref<!tpu.dma_semaphore, #tpu.memory_space<semaphore_mem>>) src(%arg13 : memref<10000x64xi32, #tpu.memory_space<vmem>>) dst(%dma_wait3A_210 : memref<10000x64xi32, #tpu.memory_space<hbm>>)
    %dma_start3A_211 = arith.constant 3 : i32
    %dma_start3A_212 = tpu.memref_slice %arg14[%dma_start3A_211] : memref<4x!tpu.dma_semaphore, #tpu.memory_space<semaphore_mem>> -> memref<1x!tpu.dma_semaphore, #tpu.memory_space<semaphore_mem>>
    %dma_start3A_213 = tpu.memref_squeeze %dma_start3A_212 : memref<1x!tpu.dma_semaphore, #tpu.memory_space<semaphore_mem>> -> memref<!tpu.dma_semaphore, #tpu.memory_space<semaphore_mem>>
    %dma_start3A_214 = arith.constant 70000 : i32
    %dma_start3A_215 = arith.constant 0 : i32
    %dma_start3A_216 = tpu.memref_slice %arg3[%dma_start3A_214, %dma_start3A_215] : memref<100000x64xi32, #tpu.memory_space<hbm>> -> memref<10000x64xi32, #tpu.memory_space<hbm>>
    tpu.enqueue_dma source(%dma_start3A_216 : memref<10000x64xi32, #tpu.memory_space<hbm>>) target(%arg13 : memref<10000x64xi32, #tpu.memory_space<vmem>>) target_semaphore(%dma_start3A_213 : memref<!tpu.dma_semaphore, #tpu.memory_space<semaphore_mem>>)
    %dma_wait3A_217 = arith.constant 3 : i32
    %dma_wait3A_218 = tpu.memref_slice %arg14[%dma_wait3A_217] : memref<4x!tpu.dma_semaphore, #tpu.memory_space<semaphore_mem>> -> memref<1x!tpu.dma_semaphore, #tpu.memory_space<semaphore_mem>>
    %dma_wait3A_219 = tpu.memref_squeeze %dma_wait3A_218 : memref<1x!tpu.dma_semaphore, #tpu.memory_space<semaphore_mem>> -> memref<!tpu.dma_semaphore, #tpu.memory_space<semaphore_mem>>
    %dma_wait3A_220 = arith.constant 70000 : i32
    %dma_wait3A_221 = arith.constant 0 : i32
    %dma_wait3A_222 = tpu.memref_slice %arg3[%dma_wait3A_220, %dma_wait3A_221] : memref<100000x64xi32, #tpu.memory_space<hbm>> -> memref<10000x64xi32, #tpu.memory_space<hbm>>
    tpu.wait_dma2 semaphore(%dma_wait3A_219 : memref<!tpu.dma_semaphore, #tpu.memory_space<semaphore_mem>>) src(%dma_wait3A_222 : memref<10000x64xi32, #tpu.memory_space<hbm>>) dst(%arg13 : memref<10000x64xi32, #tpu.memory_space<vmem>>)
    %dma_start3A_223 = arith.constant 3 : i32
    %dma_start3A_224 = tpu.memref_slice %arg15[%dma_start3A_223] : memref<4x!tpu.dma_semaphore, #tpu.memory_space<semaphore_mem>> -> memref<1x!tpu.dma_semaphore, #tpu.memory_space<semaphore_mem>>
    %dma_start3A_225 = tpu.memref_squeeze %dma_start3A_224 : memref<1x!tpu.dma_semaphore, #tpu.memory_space<semaphore_mem>> -> memref<!tpu.dma_semaphore, #tpu.memory_space<semaphore_mem>>
    %dma_start3A_226 = arith.constant 70000 : i32
    %dma_start3A_227 = arith.constant 0 : i32
    %dma_start3A_228 = tpu.memref_slice %arg6[%dma_start3A_226, %dma_start3A_227] : memref<100000x64xi32, #tpu.memory_space<hbm>> -> memref<10000x64xi32, #tpu.memory_space<hbm>>
    tpu.enqueue_dma source(%arg13 : memref<10000x64xi32, #tpu.memory_space<vmem>>) target(%dma_start3A_228 : memref<10000x64xi32, #tpu.memory_space<hbm>>) target_semaphore(%dma_start3A_225 : memref<!tpu.dma_semaphore, #tpu.memory_space<semaphore_mem>>)
    %dma_wait3A_229 = arith.constant 0 : i32
    %dma_wait3A_230 = tpu.memref_slice %arg15[%dma_wait3A_229] : memref<4x!tpu.dma_semaphore, #tpu.memory_space<semaphore_mem>> -> memref<1x!tpu.dma_semaphore, #tpu.memory_space<semaphore_mem>>
    %dma_wait3A_231 = tpu.memref_squeeze %dma_wait3A_230 : memref<1x!tpu.dma_semaphore, #tpu.memory_space<semaphore_mem>> -> memref<!tpu.dma_semaphore, #tpu.memory_space<semaphore_mem>>
    %dma_wait3A_232 = arith.constant 40000 : i32
    %dma_wait3A_233 = arith.constant 0 : i32
    %dma_wait3A_234 = tpu.memref_slice %arg6[%dma_wait3A_232, %dma_wait3A_233] : memref<100000x64xi32, #tpu.memory_space<hbm>> -> memref<10000x64xi32, #tpu.memory_space<hbm>>
    tpu.wait_dma2 semaphore(%dma_wait3A_231 : memref<!tpu.dma_semaphore, #tpu.memory_space<semaphore_mem>>) src(%arg10 : memref<10000x64xi32, #tpu.memory_space<vmem>>) dst(%dma_wait3A_234 : memref<10000x64xi32, #tpu.memory_space<hbm>>)
    %dma_start3A_235 = arith.constant 0 : i32
    %dma_start3A_236 = tpu.memref_slice %arg14[%dma_start3A_235] : memref<4x!tpu.dma_semaphore, #tpu.memory_space<semaphore_mem>> -> memref<1x!tpu.dma_semaphore, #tpu.memory_space<semaphore_mem>>
    %dma_start3A_237 = tpu.memref_squeeze %dma_start3A_236 : memref<1x!tpu.dma_semaphore, #tpu.memory_space<semaphore_mem>> -> memref<!tpu.dma_semaphore, #tpu.memory_space<semaphore_mem>>
    %dma_start3A_238 = arith.constant 80000 : i32
    %dma_start3A_239 = arith.constant 0 : i32
    %dma_start3A_240 = tpu.memref_slice %arg3[%dma_start3A_238, %dma_start3A_239] : memref<100000x64xi32, #tpu.memory_space<hbm>> -> memref<10000x64xi32, #tpu.memory_space<hbm>>
    tpu.enqueue_dma source(%dma_start3A_240 : memref<10000x64xi32, #tpu.memory_space<hbm>>) target(%arg10 : memref<10000x64xi32, #tpu.memory_space<vmem>>) target_semaphore(%dma_start3A_237 : memref<!tpu.dma_semaphore, #tpu.memory_space<semaphore_mem>>)
    %dma_wait3A_241 = arith.constant 0 : i32
    %dma_wait3A_242 = tpu.memref_slice %arg14[%dma_wait3A_241] : memref<4x!tpu.dma_semaphore, #tpu.memory_space<semaphore_mem>> -> memref<1x!tpu.dma_semaphore, #tpu.memory_space<semaphore_mem>>
    %dma_wait3A_243 = tpu.memref_squeeze %dma_wait3A_242 : memref<1x!tpu.dma_semaphore, #tpu.memory_space<semaphore_mem>> -> memref<!tpu.dma_semaphore, #tpu.memory_space<semaphore_mem>>
    %dma_wait3A_244 = arith.constant 80000 : i32
    %dma_wait3A_245 = arith.constant 0 : i32
    %dma_wait3A_246 = tpu.memref_slice %arg3[%dma_wait3A_244, %dma_wait3A_245] : memref<100000x64xi32, #tpu.memory_space<hbm>> -> memref<10000x64xi32, #tpu.memory_space<hbm>>
    tpu.wait_dma2 semaphore(%dma_wait3A_243 : memref<!tpu.dma_semaphore, #tpu.memory_space<semaphore_mem>>) src(%dma_wait3A_246 : memref<10000x64xi32, #tpu.memory_space<hbm>>) dst(%arg10 : memref<10000x64xi32, #tpu.memory_space<vmem>>)
    %dma_start3A_247 = arith.constant 0 : i32
    %dma_start3A_248 = tpu.memref_slice %arg15[%dma_start3A_247] : memref<4x!tpu.dma_semaphore, #tpu.memory_space<semaphore_mem>> -> memref<1x!tpu.dma_semaphore, #tpu.memory_space<semaphore_mem>>
    %dma_start3A_249 = tpu.memref_squeeze %dma_start3A_248 : memref<1x!tpu.dma_semaphore, #tpu.memory_space<semaphore_mem>> -> memref<!tpu.dma_semaphore, #tpu.memory_space<semaphore_mem>>
    %dma_start3A_250 = arith.constant 80000 : i32
    %dma_start3A_251 = arith.constant 0 : i32
    %dma_start3A_252 = tpu.memref_slice %arg6[%dma_start3A_250, %dma_start3A_251] : memref<100000x64xi32, #tpu.memory_space<hbm>> -> memref<10000x64xi32, #tpu.memory_space<hbm>>
    tpu.enqueue_dma source(%arg10 : memref<10000x64xi32, #tpu.memory_space<vmem>>) target(%dma_start3A_252 : memref<10000x64xi32, #tpu.memory_space<hbm>>) target_semaphore(%dma_start3A_249 : memref<!tpu.dma_semaphore, #tpu.memory_space<semaphore_mem>>)
    %dma_wait3A_253 = arith.constant 1 : i32
    %dma_wait3A_254 = tpu.memref_slice %arg15[%dma_wait3A_253] : memref<4x!tpu.dma_semaphore, #tpu.memory_space<semaphore_mem>> -> memref<1x!tpu.dma_semaphore, #tpu.memory_space<semaphore_mem>>
    %dma_wait3A_255 = tpu.memref_squeeze %dma_wait3A_254 : memref<1x!tpu.dma_semaphore, #tpu.memory_space<semaphore_mem>> -> memref<!tpu.dma_semaphore, #tpu.memory_space<semaphore_mem>>
    %dma_wait3A_256 = arith.constant 50000 : i32
    %dma_wait3A_257 = arith.constant 0 : i32
    %dma_wait3A_258 = tpu.memref_slice %arg6[%dma_wait3A_256, %dma_wait3A_257] : memref<100000x64xi32, #tpu.memory_space<hbm>> -> memref<10000x64xi32, #tpu.memory_space<hbm>>
    tpu.wait_dma2 semaphore(%dma_wait3A_255 : memref<!tpu.dma_semaphore, #tpu.memory_space<semaphore_mem>>) src(%arg11 : memref<10000x64xi32, #tpu.memory_space<vmem>>) dst(%dma_wait3A_258 : memref<10000x64xi32, #tpu.memory_space<hbm>>)
    %dma_start3A_259 = arith.constant 1 : i32
    %dma_start3A_260 = tpu.memref_slice %arg14[%dma_start3A_259] : memref<4x!tpu.dma_semaphore, #tpu.memory_space<semaphore_mem>> -> memref<1x!tpu.dma_semaphore, #tpu.memory_space<semaphore_mem>>
    %dma_start3A_261 = tpu.memref_squeeze %dma_start3A_260 : memref<1x!tpu.dma_semaphore, #tpu.memory_space<semaphore_mem>> -> memref<!tpu.dma_semaphore, #tpu.memory_space<semaphore_mem>>
    %dma_start3A_262 = arith.constant 90000 : i32
    %dma_start3A_263 = arith.constant 0 : i32
    %dma_start3A_264 = tpu.memref_slice %arg3[%dma_start3A_262, %dma_start3A_263] : memref<100000x64xi32, #tpu.memory_space<hbm>> -> memref<10000x64xi32, #tpu.memory_space<hbm>>
    tpu.enqueue_dma source(%dma_start3A_264 : memref<10000x64xi32, #tpu.memory_space<hbm>>) target(%arg11 : memref<10000x64xi32, #tpu.memory_space<vmem>>) target_semaphore(%dma_start3A_261 : memref<!tpu.dma_semaphore, #tpu.memory_space<semaphore_mem>>)
    %dma_wait3A_265 = arith.constant 1 : i32
    %dma_wait3A_266 = tpu.memref_slice %arg14[%dma_wait3A_265] : memref<4x!tpu.dma_semaphore, #tpu.memory_space<semaphore_mem>> -> memref<1x!tpu.dma_semaphore, #tpu.memory_space<semaphore_mem>>
    %dma_wait3A_267 = tpu.memref_squeeze %dma_wait3A_266 : memref<1x!tpu.dma_semaphore, #tpu.memory_space<semaphore_mem>> -> memref<!tpu.dma_semaphore, #tpu.memory_space<semaphore_mem>>
    %dma_wait3A_268 = arith.constant 90000 : i32
    %dma_wait3A_269 = arith.constant 0 : i32
    %dma_wait3A_270 = tpu.memref_slice %arg3[%dma_wait3A_268, %dma_wait3A_269] : memref<100000x64xi32, #tpu.memory_space<hbm>> -> memref<10000x64xi32, #tpu.memory_space<hbm>>
    tpu.wait_dma2 semaphore(%dma_wait3A_267 : memref<!tpu.dma_semaphore, #tpu.memory_space<semaphore_mem>>) src(%dma_wait3A_270 : memref<10000x64xi32, #tpu.memory_space<hbm>>) dst(%arg11 : memref<10000x64xi32, #tpu.memory_space<vmem>>)
    %dma_start3A_271 = arith.constant 1 : i32
    %dma_start3A_272 = tpu.memref_slice %arg15[%dma_start3A_271] : memref<4x!tpu.dma_semaphore, #tpu.memory_space<semaphore_mem>> -> memref<1x!tpu.dma_semaphore, #tpu.memory_space<semaphore_mem>>
    %dma_start3A_273 = tpu.memref_squeeze %dma_start3A_272 : memref<1x!tpu.dma_semaphore, #tpu.memory_space<semaphore_mem>> -> memref<!tpu.dma_semaphore, #tpu.memory_space<semaphore_mem>>
    %dma_start3A_274 = arith.constant 90000 : i32
    %dma_start3A_275 = arith.constant 0 : i32
    %dma_start3A_276 = tpu.memref_slice %arg6[%dma_start3A_274, %dma_start3A_275] : memref<100000x64xi32, #tpu.memory_space<hbm>> -> memref<10000x64xi32, #tpu.memory_space<hbm>>
    tpu.enqueue_dma source(%arg11 : memref<10000x64xi32, #tpu.memory_space<vmem>>) target(%dma_start3A_276 : memref<10000x64xi32, #tpu.memory_space<hbm>>) target_semaphore(%dma_start3A_273 : memref<!tpu.dma_semaphore, #tpu.memory_space<semaphore_mem>>)
    %dma_wait3A_277 = arith.constant 2 : i32
    %dma_wait3A_278 = tpu.memref_slice %arg15[%dma_wait3A_277] : memref<4x!tpu.dma_semaphore, #tpu.memory_space<semaphore_mem>> -> memref<1x!tpu.dma_semaphore, #tpu.memory_space<semaphore_mem>>
    %dma_wait3A_279 = tpu.memref_squeeze %dma_wait3A_278 : memref<1x!tpu.dma_semaphore, #tpu.memory_space<semaphore_mem>> -> memref<!tpu.dma_semaphore, #tpu.memory_space<semaphore_mem>>
    %dma_wait3A_280 = arith.constant 60000 : i32
    %dma_wait3A_281 = arith.constant 0 : i32
    %dma_wait3A_282 = tpu.memref_slice %arg6[%dma_wait3A_280, %dma_wait3A_281] : memref<100000x64xi32, #tpu.memory_space<hbm>> -> memref<10000x64xi32, #tpu.memory_space<hbm>>
    tpu.wait_dma2 semaphore(%dma_wait3A_279 : memref<!tpu.dma_semaphore, #tpu.memory_space<semaphore_mem>>) src(%arg12 : memref<10000x64xi32, #tpu.memory_space<vmem>>) dst(%dma_wait3A_282 : memref<10000x64xi32, #tpu.memory_space<hbm>>)
    %dma_wait3A_283 = arith.constant 3 : i32
    %dma_wait3A_284 = tpu.memref_slice %arg15[%dma_wait3A_283] : memref<4x!tpu.dma_semaphore, #tpu.memory_space<semaphore_mem>> -> memref<1x!tpu.dma_semaphore, #tpu.memory_space<semaphore_mem>>
    %dma_wait3A_285 = tpu.memref_squeeze %dma_wait3A_284 : memref<1x!tpu.dma_semaphore, #tpu.memory_space<semaphore_mem>> -> memref<!tpu.dma_semaphore, #tpu.memory_space<semaphore_mem>>
    %dma_wait3A_286 = arith.constant 70000 : i32
    %dma_wait3A_287 = arith.constant 0 : i32
    %dma_wait3A_288 = tpu.memref_slice %arg6[%dma_wait3A_286, %dma_wait3A_287] : memref<100000x64xi32, #tpu.memory_space<hbm>> -> memref<10000x64xi32, #tpu.memory_space<hbm>>
    tpu.wait_dma2 semaphore(%dma_wait3A_285 : memref<!tpu.dma_semaphore, #tpu.memory_space<semaphore_mem>>) src(%arg13 : memref<10000x64xi32, #tpu.memory_space<vmem>>) dst(%dma_wait3A_288 : memref<10000x64xi32, #tpu.memory_space<hbm>>)
    %dma_wait3A_289 = arith.constant 0 : i32
    %dma_wait3A_290 = tpu.memref_slice %arg15[%dma_wait3A_289] : memref<4x!tpu.dma_semaphore, #tpu.memory_space<semaphore_mem>> -> memref<1x!tpu.dma_semaphore, #tpu.memory_space<semaphore_mem>>
    %dma_wait3A_291 = tpu.memref_squeeze %dma_wait3A_290 : memref<1x!tpu.dma_semaphore, #tpu.memory_space<semaphore_mem>> -> memref<!tpu.dma_semaphore, #tpu.memory_space<semaphore_mem>>
    %dma_wait3A_292 = arith.constant 80000 : i32
    %dma_wait3A_293 = arith.constant 0 : i32
    %dma_wait3A_294 = tpu.memref_slice %arg6[%dma_wait3A_292, %dma_wait3A_293] : memref<100000x64xi32, #tpu.memory_space<hbm>> -> memref<10000x64xi32, #tpu.memory_space<hbm>>
    tpu.wait_dma2 semaphore(%dma_wait3A_291 : memref<!tpu.dma_semaphore, #tpu.memory_space<semaphore_mem>>) src(%arg10 : memref<10000x64xi32, #tpu.memory_space<vmem>>) dst(%dma_wait3A_294 : memref<10000x64xi32, #tpu.memory_space<hbm>>)
    %dma_wait3A_295 = arith.constant 1 : i32
    %dma_wait3A_296 = tpu.memref_slice %arg15[%dma_wait3A_295] : memref<4x!tpu.dma_semaphore, #tpu.memory_space<semaphore_mem>> -> memref<1x!tpu.dma_semaphore, #tpu.memory_space<semaphore_mem>>
    %dma_wait3A_297 = tpu.memref_squeeze %dma_wait3A_296 : memref<1x!tpu.dma_semaphore, #tpu.memory_space<semaphore_mem>> -> memref<!tpu.dma_semaphore, #tpu.memory_space<semaphore_mem>>
    %dma_wait3A_298 = arith.constant 90000 : i32
    %dma_wait3A_299 = arith.constant 0 : i32
    %dma_wait3A_300 = tpu.memref_slice %arg6[%dma_wait3A_298, %dma_wait3A_299] : memref<100000x64xi32, #tpu.memory_space<hbm>> -> memref<10000x64xi32, #tpu.memory_space<hbm>>
    tpu.wait_dma2 semaphore(%dma_wait3A_297 : memref<!tpu.dma_semaphore, #tpu.memory_space<semaphore_mem>>) src(%arg11 : memref<10000x64xi32, #tpu.memory_space<vmem>>) dst(%dma_wait3A_300 : memref<10000x64xi32, #tpu.memory_space<hbm>>)
    %dma_start3A_301 = arith.constant 0 : i32
    %dma_start3A_302 = tpu.memref_slice %arg6[%multiple_of3A, %dma_start3A_301] : memref<100000x64xi32, #tpu.memory_space<hbm>> -> memref<8x64xi32, #tpu.memory_space<hbm>>
    tpu.enqueue_dma source(%arg9 : memref<8x64xi32, #tpu.memory_space<vmem>>) target(%dma_start3A_302 : memref<8x64xi32, #tpu.memory_space<hbm>>) target_semaphore(%arg16 : memref<!tpu.dma_semaphore, #tpu.memory_space<semaphore_mem>>)
    %dma_wait3A_303 = arith.constant 0 : i32
    %dma_wait3A_304 = tpu.memref_slice %arg6[%multiple_of3A, %dma_wait3A_303] : memref<100000x64xi32, #tpu.memory_space<hbm>> -> memref<8x64xi32, #tpu.memory_space<hbm>>
    tpu.wait_dma2 semaphore(%arg16 : memref<!tpu.dma_semaphore, #tpu.memory_space<semaphore_mem>>) src(%arg9 : memref<8x64xi32, #tpu.memory_space<vmem>>) dst(%dma_wait3A_304 : memref<8x64xi32, #tpu.memory_space<hbm>>)
    return
  }
}

module attributes {stable_mosaic.version = 14 : i64} {
  func.func @_tc_bel_patch_body(%arg0: memref<2xi32, #tpu.memory_space<smem>>, %arg1: memref<1x256xf32, #tpu.memory_space<vmem>>, %arg2: memref<100000x256xf32, #tpu.memory_space<hbm>>, %arg3: memref<100000x256xf32, #tpu.memory_space<hbm>>, %arg4: memref<8x256xf32, #tpu.memory_space<vmem>>, %arg5: memref<!tpu.dma_semaphore, #tpu.memory_space<semaphore_mem>>) attributes {dimension_semantics = [], scalar_prefetch = 0 : i64, scratch_operands = 2 : i64, tpu.core_type = #tpu.core_type<tc>} {
    %get3A = arith.constant 0 : index
    %get3A_0 = memref.load %arg0[%get3A] : memref<2xi32, #tpu.memory_space<smem>>
    %jit3A = arith.constant 8 : i32
    %div3A = arith.divsi %get3A_0, %jit3A : i32
    %sign3A = arith.constant 0 : i32
    %sign3A_1 = arith.cmpi sgt, %get3A_0, %sign3A : i32
    %sign3A_2 = arith.extui %sign3A_1 : i1 to i32
    %sign3A_3 = arith.constant 0 : i32
    %sign3A_4 = arith.cmpi slt, %get3A_0, %sign3A_3 : i32
    %sign3A_5 = arith.extui %sign3A_4 : i1 to i32
    %sign3A_6 = arith.subi %sign3A_2, %sign3A_5 : i32
    %sign3A_7 = arith.constant 0 : i32
    %sign3A_8 = arith.cmpi sgt, %jit3A, %sign3A_7 : i32
    %sign3A_9 = arith.extui %sign3A_8 : i1 to i32
    %sign3A_10 = arith.constant 0 : i32
    %sign3A_11 = arith.cmpi slt, %jit3A, %sign3A_10 : i32
    %sign3A_12 = arith.extui %sign3A_11 : i1 to i32
    %sign3A_13 = arith.subi %sign3A_9, %sign3A_12 : i32
    %ne3A = arith.cmpi ne, %sign3A_6, %sign3A_13 : i32
    %rem3A = arith.remsi %get3A_0, %jit3A : i32
    %ne3A_14 = arith.constant 0 : i32
    %ne3A_15 = arith.cmpi ne, %rem3A, %ne3A_14 : i32
    %and3A = arith.andi %ne3A, %ne3A_15 : i1
    %sub3A = arith.constant 1 : i32
    %sub3A_16 = arith.subi %div3A, %sub3A : i32
    %select_n3A = arith.select %and3A, %sub3A_16, %div3A : i32
    %mul3A = arith.constant 8 : i32
    %mul3A_17 = arith.muli %select_n3A, %mul3A : i32
    %multiple_of3A = tpu.assume_multiple %mul3A_17, 8 : i32
    %sub3A_18 = arith.subi %get3A_0, %multiple_of3A : i32
    %dma_start3A = arith.constant 0 : i32
    %dma_start3A_19 = tpu.memref_slice %arg2[%multiple_of3A, %dma_start3A] : memref<100000x256xf32, #tpu.memory_space<hbm>> -> memref<8x256xf32, #tpu.memory_space<hbm>>
    tpu.enqueue_dma source(%dma_start3A_19 : memref<8x256xf32, #tpu.memory_space<hbm>>) target(%arg4 : memref<8x256xf32, #tpu.memory_space<vmem>>) target_semaphore(%arg5 : memref<!tpu.dma_semaphore, #tpu.memory_space<semaphore_mem>>)
    %dma_wait3A = arith.constant 0 : i32
    %dma_wait3A_20 = tpu.memref_slice %arg2[%multiple_of3A, %dma_wait3A] : memref<100000x256xf32, #tpu.memory_space<hbm>> -> memref<8x256xf32, #tpu.memory_space<hbm>>
    tpu.wait_dma2 semaphore(%arg5 : memref<!tpu.dma_semaphore, #tpu.memory_space<semaphore_mem>>) src(%dma_wait3A_20 : memref<8x256xf32, #tpu.memory_space<hbm>>) dst(%arg4 : memref<8x256xf32, #tpu.memory_space<vmem>>)
    %iota3A = tpu.iota {dimensions = array<i32: 0>} : vector<8x256xi32>
    %eq3A = vector.broadcast %sub3A_18 : i32 to vector<8x256xi32>
    %eq3A_21 = arith.cmpi eq, %iota3A, %eq3A : vector<8x256xi32>
    %get3A_22 = arith.constant 0 : index
    %get3A_23 = arith.constant 0 : index
    %get3A_24 = vector.load %arg1[%get3A_22, %get3A_23] : memref<1x256xf32, #tpu.memory_space<vmem>>, vector<1x256xf32>
    %get3A_25 = arith.constant 0 : index
    %get3A_26 = arith.constant 0 : index
    %get3A_27 = vector.load %arg4[%get3A_25, %get3A_26] : memref<8x256xf32, #tpu.memory_space<vmem>>, vector<8x256xf32>
    %broadcast_in_dim3A = vector.shape_cast %get3A_24 : vector<1x256xf32> to vector<1x256xf32>
    %broadcast_in_dim3A_28 = vector.broadcast %broadcast_in_dim3A : vector<1x256xf32> to vector<8x256xf32>
    %select_n3A_29 = arith.select %eq3A_21, %broadcast_in_dim3A_28, %get3A_27 : vector<8x256xi1>, vector<8x256xf32>
    %swap3A = arith.constant 0 : index
    %swap3A_30 = arith.constant 0 : index
    %swap3A_31 = vector.load %arg4[%swap3A, %swap3A_30] : memref<8x256xf32, #tpu.memory_space<vmem>>, vector<8x256xf32>
    tpu.vector_store %arg4[%swap3A, %swap3A_30], %select_n3A_29 {strides = array<i32>} : memref<8x256xf32, #tpu.memory_space<vmem>>, vector<8x256xf32>,
    %dma_start3A_32 = arith.constant 0 : i32
    %dma_start3A_33 = tpu.memref_slice %arg3[%multiple_of3A, %dma_start3A_32] : memref<100000x256xf32, #tpu.memory_space<hbm>> -> memref<8x256xf32, #tpu.memory_space<hbm>>
    tpu.enqueue_dma source(%arg4 : memref<8x256xf32, #tpu.memory_space<vmem>>) target(%dma_start3A_33 : memref<8x256xf32, #tpu.memory_space<hbm>>) target_semaphore(%arg5 : memref<!tpu.dma_semaphore, #tpu.memory_space<semaphore_mem>>)
    %dma_wait3A_34 = arith.constant 0 : i32
    %dma_wait3A_35 = tpu.memref_slice %arg3[%multiple_of3A, %dma_wait3A_34] : memref<100000x256xf32, #tpu.memory_space<hbm>> -> memref<8x256xf32, #tpu.memory_space<hbm>>
    tpu.wait_dma2 semaphore(%arg5 : memref<!tpu.dma_semaphore, #tpu.memory_space<semaphore_mem>>) src(%arg4 : memref<8x256xf32, #tpu.memory_space<vmem>>) dst(%dma_wait3A_35 : memref<8x256xf32, #tpu.memory_space<hbm>>)
    return
  }
}

</mosaic_0001>

<sc_bundles>
// kernel: kernel.5.cloned.1.call-start
scs
__scs_entry_jumppad:
0x0: {  	(pc) =	sbr.rel $0x88, $3  }
0x1: {  	(tag) =	ssettag $0x0;
	lr =	simm.s32 $0x1  }
0x2: {  	[smem:$0x3F98] =	sst lr;
	_ =	strace $0xD0000000  }
0x3: {  	_ = 	snop  }
0x4: {  	_ = 	snop  }
0x5: {  	_ = 	snop  }
0x6: {  	_ = 	snop  }
0x7: {  	_ = 	snop  }
__scs_overlays_trampoline_lowered:
0x8: {  	[smem:$0x3FA7] =	sst s0  }
0x9: {  	[smem:$0x3FA8] =	sst s1  }
0xa: {  	[smem:$0x3FA9] =	sst s2  }
0xb: {  	[smem:$0x3FAA] =	sst s3  }
0xc: {  	[smem:$0x3FAB] =	sst s4  }
0xd: {  	[smem:$0x3FAC] =	sst s5  }
0xe: {  	[smem:$0x3FAD] =	sst s6  }
0xf: {  	[smem:$0x3FAE] =	sst s7  }
0x10: {  	[smem:$0x3FAF] =	sst s8  }
0x11: {  	[smem:$0x3FB0] =	sst s9;
	s0 =	simm.s32 @!p0 $0x0  }
0x12: {  	s1 =	sld [smem:$0x3F96];
	s0 =	simm.s32 @p0 $0x1  }
0x13: {  	[smem:$0x3FB1] =	sst s0;
	s0 =	simm.s32 @!p1 $0x0  }
0x14: {  	s2 =	sld [smem:$0x3F95];
	s0 =	simm.s32 @p1 $0x1  }
0x15: {  	[smem:$0x3FB2] =	sst s0;
	s0 =	simm.s32 @!p2 $0x0  }
0x16: {  	s3 =	sld [smem:$0x3FDB];
	s0 =	simm.s32 @p2 $0x1  }
0x17: {  	s4 =	simm.s32 $0x1BF5;
	[smem:$0x3FB4] =	sst s0  }
0x18: {  	s0 =	sld [smem:$0x3F97];
	_ =	swait.ge [sflag:s4], $0x0  }
0x19: {  	s7 =	sld [smem:$0x3F98]  }
0x1a: {  	s8 =	sadd.s32 $0xFFFFE003, lr  }
0x1b: {  	s9 =	sadd.s32 $0xFFFFFEF7, lr;
	s5 =	simm.s32 $0xFFFFFFFF;
	p2 =	slt.u32 s8, $0xFFFFF086  }
0x1c: {  	p1 =	slt.u32 s9, $0xF7A;
	s5 =	simm.s32 @!p2 $0x0  }
0x1d: {  	s5 =	simm.s32 @p1 $0x1;
	p0 =	seq.s32 s7, s2  }
0x1e: {  	s7 =	smul.u32 @!p0 $0xF7A, s2;
	p2 =	seq.s32 @!p0 s5, $0x0  }
0x1f: {  	s9 =	smul.u32 $0xF7A, s1;
	s8 =	simm.s32 @!p0 $0x1BF5;
	p2 =	por !p2, p0  }
0x20: {  	[sflag:s8] =	ssyncset.s32 @!p0 $0xFFFFF086;
	s6 =	sadd.s32 @!p0 s3, s7;
	s7 =	simm.s32 @!p0 $0x108  }
0x21: {  	s3 =	sadd.s32 s3, s9;
	s6 =	sadd.s32 @!p0 $0x88, s6;
	s7 =	simm.s32 @p2 $0x1082  }
0x22: {  	[simem:s7], [sflag:s8] =	dma.local @!p0 [hbm:s6], $0xF7A  }
0x23: {  	s9 =	sor.u32 $0xD0000000, s2;
	s6 =	simm.s32 $0x108;
	_ =	swait.ge @!p0 [sflag:s8], $0x0  }
0x24: {  	s3 =	sadd.s32 $0x88, s3;
	s6 =	simm.s32 @!p1 $0x1082;
	[sflag:s4] =	ssyncset.s32 $0xFFFFF086  }
0x25: {  	[simem:s6], [sflag:s4] =	dma.local [hbm:s3], $0xF7A  }
0x26: {  	[smem:$0x3F98] =	sst s1;
	(tag) =	ssettag s2;
	_ =	strace s9  }
0x27: {  	s1 =	sld [smem:$0x3FA8]  }
0x28: {  	s2 =	sld [smem:$0x3FA9]  }
0x29: {  	s4 =	sld [smem:$0x3FAB]  }
0x2a: {  	p0 =	seq.s32 s5, $0x0;
	s5 =	sld [smem:$0x3FAC]  }
0x2b: {  	s6 =	sld [smem:$0x3FAD]  }
0x2c: {  	s7 =	sld [smem:$0x3FAE]  }
0x2d: {  	s3 =	simm.s32 $0x108;
	s8 =	sld [smem:$0x3FAF]  }
0x2e: {  	s3 =	simm.s32 @!p0 $0x1082;
	s9 =	sld [smem:$0x3FB0]  }
0x2f: {  	lr =	sadd.s32 s0, s3;
	s0 =	sld [smem:$0x3FA7]  }
0x30: {  	s3 =	sld [smem:$0x3FAA]  }
0x31: {  	[smem:$0x3FB3] =	sst s10  }
0x32: {  	s10 =	sld [smem:$0x3FB1];
	_ =	sdelay $0x3  }
0x33: {  	p0 =	seq.s32 s10, $0x1;
	s10 =	sld [smem:$0x3FB3];
	_ =	sdelay $0x3  }
0x34: {  	[smem:$0x3FB3] =	sst s10  }
0x35: {  	s10 =	sld [smem:$0x3FB2];
	_ =	sdelay $0x3  }
0x36: {  	p1 =	seq.s32 s10, $0x1;
	s10 =	sld [smem:$0x3FB3];
	_ =	sdelay $0x3  }
0x37: {  	[smem:$0x3FB3] =	sst s10  }
0x38: {  	s10 =	sld [smem:$0x3FB4]  }
0x39: {  	_ = 	snop;
	(pc) =	sbr.ind lr, $3  }
0x3a: {  	_ = 	snop  }
0x3b: {  	_ = 	snop  }
0x3c: {  	p2 =	seq.s32 s10, $0x1;
	s10 =	sld [smem:$0x3FB3]  }
0x3d: {  	_ =	shalt  }
0x3e: {  	_ =	shalt  }
0x3f: {  	_ =	shalt  }
0x40: {  	_ =	shalt  }
0x41: {  	_ =	shalt  }
0x42: {  	_ =	shalt  }
0x43: {  	_ =	shalt  }
0x44: {  	_ =	shalt  }
0x45: {  	_ =	shalt  }
0x46: {  	_ =	shalt  }
0x47: {  	_ =	shalt  }
0x48: {  	_ =	shalt  }
0x49: {  	_ =	shalt  }
0x4a: {  	_ =	shalt  }
0x4b: {  	_ =	shalt  }
0x4c: {  	_ =	shalt  }
0x4d: {  	_ =	shalt  }
0x4e: {  	_ =	shalt  }
0x4f: {  	_ =	shalt  }
0x50: {  	_ =	shalt  }
0x51: {  	_ =	shalt  }
0x52: {  	_ =	shalt  }
0x53: {  	_ =	shalt  }
0x54: {  	_ =	shalt  }
0x55: {  	_ =	shalt  }
0x56: {  	_ =	shalt  }
0x57: {  	_ =	shalt  }
0x58: {  	_ =	shalt  }
0x59: {  	_ =	shalt  }
0x5a: {  	_ =	shalt  }
0x5b: {  	_ =	shalt  }
0x5c: {  	_ =	shalt  }
0x5d: {  	_ =	shalt  }
0x5e: {  	_ =	shalt  }
0x5f: {  	_ =	shalt  }
0x60: {  	_ =	shalt  }
0x61: {  	_ =	shalt  }
0x62: {  	_ =	shalt  }
0x63: {  	_ =	shalt  }
0x64: {  	_ =	shalt  }
0x65: {  	_ =	shalt  }
0x66: {  	_ =	shalt  }
0x67: {  	_ =	shalt  }
0x68: {  	_ =	shalt  }
0x69: {  	_ =	shalt  }
0x6a: {  	_ =	shalt  }
0x6b: {  	_ =	shalt  }
0x6c: {  	_ =	shalt  }
0x6d: {  	_ =	shalt  }
0x6e: {  	_ =	shalt  }
0x6f: {  	_ =	shalt  }
0x70: {  	_ =	shalt  }
0x71: {  	_ =	shalt  }
0x72: {  	_ =	shalt  }
0x73: {  	_ =	shalt  }
0x74: {  	_ =	shalt  }
0x75: {  	_ =	shalt  }
0x76: {  	_ =	shalt  }
0x77: {  	_ =	shalt  }
0x78: {  	_ =	shalt  }
0x79: {  	_ =	shalt  }
0x7a: {  	_ =	shalt  }
0x7b: {  	_ =	shalt  }
0x7c: {  	_ =	shalt  }
0x7d: {  	_ =	shalt  }
0x7e: {  	_ =	shalt  }
0x7f: {  	_ =	shalt  }
0x80: {  	_ =	shalt  }
0x81: {  	_ =	shalt  }
0x82: {  	_ =	shalt  }
0x83: {  	_ =	shalt  }
0x84: {  	_ =	shalt  }
0x85: {  	_ =	shalt  }
0x86: {  	_ =	shalt  }
0x87: {  	_ =	shalt  }
.Lfunc_end0:
.L_simem_size_0:
called_computation_lowered:
.L_overlay_start_0:
0x88: {  	s2 =	sld [smem:$0x3FD9]  }
0x89: {  	s3 =	sld [smem:$0x3FFE];
	_ =	sdelay $0x1  }
0x8a: {  	s1 =	srdreg.scid  }
0x8b: {  	s0 =	sand.u32 $0x1, s1  }
0x8c: {  	s15 =	sshll.u32 s0, $0xA;
	s2 =	sadd.s32 s3, s2  }
0x8d: {  	s2 =	sadd.s32 s2, s15  }
0x8e: {  	[smem:$0x3FBF] =	sst s2  }
0x8f: {  	_ = 	snop  }
0x90: {  	s2 =	sld [smem:$0x3FD0];
	_ =	sdelay $0x2  }
0x91: {  	s4 =	simm.s32 $0xA;
	s5 =	simm.s32 $0x10;
	s16 =	sld [smem:$0x3FC7]  }
0x92: {  	[smem:s5], [sflag:s4] =	dma.local [hbm:s2], $0x1  }
0x93: {  	_ =	swait.eq [sflag:s4], $0x1  }
0x94: {  	[sflag:s4] =	ssyncset.done $0x0  }
0x95: {  	[sflag:s4] =	ssyncadd.s32 $0xFFFFFFFF  }
0x96: {  	s17 =	sld [smem:$0x12];
	(tm) =	ssettm $0x1  }
0x97: {  	s18 =	sld [smem:$0x3FFB];
	_ =	sdelay $0x3  }
0x98: {  	_ =	strace s18  }
0x99: {  	s4 =	sld [smem:$0x3FFC];
	_ =	sdelay $0x3  }
0x9a: {  	_ =	strace s4  }
0x9b: {  	s4 =	sld [smem:$0x3FFD];
	_ =	sdelay $0x3  }
0x9c: {  	_ =	strace s4  }
0x9d: {  	_ =	strace $0x8FFFFFFF  }
0x9e: {  	s19 =	sld [smem:$0x3FDB];
	_ =	sdelay $0x1  }
0x9f: {  	s20 =	simm.s32 $_scs_section_size  }
0xa0: {  	s6 =	simm.s32 $_size__tile_overlayer_lowered;
	s7 =	simm.s32 $_tile_overlayer_lowered  }
0xa1: {  	s23 =	simm.s32 $0x1BFF;
	s22 =	sshll.u32 s7, $0x1;
	s4 =	sadd.s32 s20, s19  }
0xa2: {  	s8 =	simm.s32 $0x0;
	s21 =	sshll.u32 s6, $0x1;
	s6 =	sadd.s32 s22, s4  }
0xa3: {  	[timem:s8], [sflag:s23] =	dma.local [hbm:s6], s21  }
0xa4: {  	_ =	swait.ge [sflag:s23], s21  }
0xa5: {  	s5 =	ssub.s32 $0x0, s21;
	[sflag:s23] =	ssyncset.done $0x0  }
0xa6: {  	[sflag:s23] =	ssyncadd.s32 s5;
	_ =	sdelay $0x1  }
0xa7: {  	s24 =	simm.s32 $0x1B8B  }
0xa8: {  	_ =	swait.ge [sflag:s24], $0x1  }
0xa9: {  	[sflag:s24] =	ssyncset.done $0x0  }
0xaa: {  	s25 =	simm.s32 $0x1B8E;
	[sflag:s24] =	ssyncadd.s32 $0xFFFFFFFF  }
0xab: {  	s26 =	simm.s32 $execute0_lowered;
	[smem:$0x3FD2] =	sst s25  }
0xac: {  	s5 =	sshll.u32 s26, $0x1;
	_ =	strace $0x80000046;
	[dreg:$0x1] =	wrdreg $0xFFFFFFFF  }
0xad: {  	s28 =	simm.s32 $_size_execute0_lowered;
	s4 =	sadd.s32 s4, s5;
	[dreg:$0x0] =	wrdreg $0x0  }
0xae: {  	s5 =	sshll.u32 s28, $0x1;
	[dreg:$0x2] =	wrdreg s4  }
0xaf: {  	[dreg:$0x3] =	wrdreg s5  }
0xb0: {  	[dreg:$0x4] =	wrdreg $0xC0  }
0xb1: {  	_ =	task [dreg:s8], $0x5FFFF  }
0xb2: {  	[dreg:$0x1] =	wrdreg $0xFFFFFFFF  }
0xb3: {  	[dreg:$0x0] =	wrdreg $0x60  }
0xb4: {  	[dreg:$0x2] =	wrdreg s16  }
0xb5: {  	[dreg:$0x3] =	wrdreg s17  }
0xb6: {  	[dreg:$0x4] =	wrdreg $0x9  }
0xb7: {  	_ =	task.clear_ibuf [dreg:s8], $0x5FFFF;
	_ =	strace $0x90000046  }
0xb8: {  	s29 =	simm.s32 $0x9;
	_ =	strace $0x80000048  }
0xb9: {  	_ =	swait.ge [sflag:s29], $0x1  }
0xba: {  	[sflag:s29] =	ssyncadd.s32 $0xFFFFFFFF  }
0xbb: {  	_ =	strace $0x90000048  }
0xbc: {  	_ =	sfence  }
0xbd: {  	s30 =	sld [smem:$0x0];
	_ =	sdelay $0x2  }
0xbe: {  	s31 =	sshll.u32 s1, $0xD;
	s1 =	sshrl.u32 s1, $0x2  }
0xbf: {  	s3 =	sand.u32 $0x4000, s31;
	s1 =	sadd.s32 s1, s30  }
0xc0: {  	s0 =	sor.u32 s3, s0;
	s1 =	sshll.u32 s1, $0x11  }
0xc1: {  	s0 =	sor.u32 s1, s0  }
0xc2: {  	s0 =	sadd.s32 $0x8F2B, s0  }
0xc3: {  	[sflag:s0] =	ssyncadd.remote.s32 $0x1  }
0xc4: {  	_ =	sfence.sel $0xFFFF  }
0xc5: {  	[dreg:$0x0] =	wrdreg $0xFFFFFFFF;
	(pc) =	sbr.abs _section_cstart, $3  }
0xc6: {  	[dreg:$0x1] =	wrdreg $0xFFFFFFFF  }
0xc7: {  	_ =	task.clear_ibuf [dreg:s8], $0x2FFFF;
	_ =	strace $0x9FFFFFFF  }
0xc8: {  	(tm) =	ssettm $0x7FFFFFFF  }
0xc9: {  	_ =	shalt  }
tec
execute0_lowered:
.L_overlay_start_1:
0x0: {  	(tag) =	ssettag $0x1  }
0x1: {  	s1 =	srdreg.scid;
	s0 =	stileid.u32  }
0x2: {  	s1 =	sand.u32 $0x1, s1;
	s2 =	sshll.u32 s0, $0x1  }
0x3: {  	s30 =	rddreg [dreg:$0x0];
	s3 =	sor.u32 s1, s2  }
0x4: {  	[dreg:$0xd] =	wrdreg s1;
	s2 =	simm.s32 $0x0;
	s4 =	smul.u32 $0x19000, s3  }
0x5: {  	[smem:$0x7FF] =	sst s2  }
0x6: {  	s31 =	rddreg [dreg:$0x1];
	_ =	strace $0x80000047;
	s5 =	sadd.s32 s30, s4  }
0x7: {  	s9 =	sadd.s32 s31, s4;
	s6 =	sadd.s32 $0x1900, s4;
	[dreg:$0x3] =	wrdreg s5  }
0x8: {  	[dreg:$0x4] =	wrdreg s9;
	s10 =	sadd.s32 s30, s6  }
0x9: {  	s12 =	sadd.s32 $0x3200, s4;
	s11 =	sadd.s32 s31, s6;
	[dreg:$0x5] =	wrdreg s10  }
0xa: {  	s29 =	smul.u32 $0xC80, s3;
	s13 =	sadd.s32 s30, s12;
	[dreg:$0x6] =	wrdreg s11  }
0xb: {  	s4 =	sadd.s32 $0x4B00, s4;
	s14 =	sadd.s32 s31, s12;
	[dreg:$0x7] =	wrdreg s13  }
0xc: {  	s15 =	smin.u32 s29, $0x182B8;
	s16 =	sadd.s32 s30, s4;
	[dreg:$0x8] =	wrdreg s14  }
0xd: {  	s17 =	sshll.u32 s15, $0x5;
	[dreg:$0x9] =	wrdreg s16  }
0xe: {  	s4 =	sadd.s32 s31, s4;
	s8 =	sadd.s32 $0x6400, s17;
	s18 =	rddreg [dreg:$0x3]  }
0xf: {  	[dreg:$0xa] =	wrdreg s4;
	s3 =	sadd.s32 s30, s8  }
0x10: {  	[tilespmem:s2], [sflag:$0x1] =	stream.linear.gather [hbm4b:s18+s2], $0xC800, $0x38;
	[tilespmem:$0x19000] =	vst v63  }
0x11: {  	[dreg:$0xb] =	wrdreg s3;
	s3 =	simm.s32 $0x1  }
0x12: {  	_ =	swait.ge [sflag:s3], $0xC800  }
0x13: {  	[sflag:s3] =	ssyncset.done $0x0  }
0x14: {  	s19 =	rddreg [dreg:$0x4];
	[sflag:s3] =	ssyncadd.s32 $0xFFFF3800  }
0x15: {  	[hbm4b:s19+s2] =	stream.linear.scatter [tilespmem:s2], [sflag:$0x3], $0xC800, $0x38;
	[tilespmem:$0x19000] =	vst v63  }
0x16: {  	s5 =	simm.s32 $0x2;
	s4 =	simm.s32 $0xC800;
	s20 =	rddreg [dreg:$0x5]  }
0x17: {  	[tilespmem:s4], [sflag:$0x2] =	stream.linear.gather [hbm4b:s20+s2], $0xC800, $0x38;
	[tilespmem:$0x19000] =	vst v63  }
0x18: {  	_ =	swait.ge [sflag:s5], $0xC800  }
0x19: {  	[sflag:s5] =	ssyncset.done $0x0  }
0x1a: {  	s6 =	simm.s32 $0x3;
	s7 =	rddreg [dreg:$0x6];
	[sflag:s5] =	ssyncadd.s32 $0xFFFF3800  }
0x1b: {  	[hbm4b:s7+s2] =	stream.linear.scatter [tilespmem:s4], [sflag:$0x4], $0xC800, $0x38;
	[tilespmem:$0x19000] =	vst v63  }
0x1c: {  	_ =	swait.ge [sflag:s6], $0xC800  }
0x1d: {  	[sflag:s6] =	ssyncset.done $0x0  }
0x1e: {  	s21 =	rddreg [dreg:$0x7];
	[sflag:s6] =	ssyncadd.s32 $0xFFFF3800  }
0x1f: {  	[tilespmem:s2], [sflag:$0x1] =	stream.linear.gather [hbm4b:s21+s2], $0xC800, $0x38;
	[tilespmem:$0x19000] =	vst v63  }
0x20: {  	_ =	swait.ge [sflag:s3], $0xC800  }
0x21: {  	[sflag:s3] =	ssyncset.done $0x0  }
0x22: {  	s7 =	simm.s32 $0x4;
	s9 =	rddreg [dreg:$0x8];
	[sflag:s3] =	ssyncadd.s32 $0xFFFF3800  }
0x23: {  	[hbm4b:s9+s2] =	stream.linear.scatter [tilespmem:s2], [sflag:$0x3], $0xC800, $0x38;
	[tilespmem:$0x19000] =	vst v63  }
0x24: {  	_ =	swait.ge [sflag:s7], $0xC800  }
0x25: {  	[sflag:s7] =	ssyncset.done $0x0  }
0x26: {  	s22 =	rddreg [dreg:$0x9];
	[sflag:s7] =	ssyncadd.s32 $0xFFFF3800  }
0x27: {  	[tilespmem:s4], [sflag:$0x2] =	stream.linear.gather [hbm4b:s22+s2], $0xC800, $0x38;
	[tilespmem:$0x19000] =	vst v63  }
0x28: {  	_ =	swait.ge [sflag:s5], $0xC800  }
0x29: {  	[sflag:s5] =	ssyncset.done $0x0  }
0x2a: {  	s23 =	rddreg [dreg:$0xa];
	[sflag:s5] =	ssyncadd.s32 $0xFFFF3800  }
0x2b: {  	[hbm4b:s23+s2] =	stream.linear.scatter [tilespmem:s4], [sflag:$0x4], $0xC800, $0x38;
	[tilespmem:$0x19000] =	vst v63  }
0x2c: {  	_ =	swait.ge [sflag:s6], $0xC800  }
0x2d: {  	[sflag:s6] =	ssyncset.done $0x0  }
0x2e: {  	s24 =	rddreg [dreg:$0xb];
	[sflag:s6] =	ssyncadd.s32 $0xFFFF3800  }
0x2f: {  	[tilespmem:s2], [sflag:$0x1] =	stream.linear.gather [hbm4b:s24+s2], $0xC800, $0x38;
	[tilespmem:$0x19000] =	vst v63  }
0x30: {  	_ =	swait.ge [sflag:s3], $0xC800  }
0x31: {  	s26 =	sadd.s32 s31, s8;
	[sflag:s3] =	ssyncset.done $0x0  }
0x32: {  	s25 =	smin.u32 s29, $0x181F0;
	[dreg:$0xc] =	wrdreg s26;
	[sflag:s3] =	ssyncadd.s32 $0xFFFF3800  }
0x33: {  	[hbm4b:s26+s2] =	stream.linear.scatter [tilespmem:s2], [sflag:$0x3], $0xC800, $0x38;
	[tilespmem:$0x19000] =	vst v63  }
0x34: {  	s9 =	sshll.u32 s25, $0x5;
	_ =	swait.ge [sflag:s7], $0xC800  }
0x35: {  	s10 =	sadd.s32 $0x7D00, s9;
	[sflag:s7] =	ssyncset.done $0x0  }
0x36: {  	s9 =	sadd.s32 s30, s10;
	[sflag:s7] =	ssyncadd.s32 $0xFFFF3800  }
0x37: {  	[tilespmem:s4], [sflag:$0x2] =	stream.linear.gather [hbm4b:s9+s2], $0xC800, $0x38;
	[tilespmem:$0x19000] =	vst v63  }
0x38: {  	_ =	swait.ge [sflag:s5], $0xC800  }
0x39: {  	[sflag:s5] =	ssyncset.done $0x0  }
0x3a: {  	s11 =	smin.u32 s29, $0x18128;
	s10 =	sadd.s32 s31, s10;
	[sflag:s5] =	ssyncadd.s32 $0xFFFF3800  }
0x3b: {  	[hbm4b:s10+s2] =	stream.linear.scatter [tilespmem:s4], [sflag:$0x4], $0xC800, $0x38;
	[tilespmem:$0x19000] =	vst v63  }
0x3c: {  	s11 =	sshll.u32 s11, $0x5;
	_ =	swait.ge [sflag:s6], $0xC800  }
0x3d: {  	s12 =	sadd.s32 $0x9600, s11;
	[sflag:s6] =	ssyncset.done $0x0  }
0x3e: {  	s11 =	sadd.s32 s30, s12;
	[sflag:s6] =	ssyncadd.s32 $0xFFFF3800  }
0x3f: {  	[tilespmem:s2], [sflag:$0x1] =	stream.linear.gather [hbm4b:s11+s2], $0xC800, $0x38;
	[tilespmem:$0x19000] =	vst v63  }
0x40: {  	_ =	swait.ge [sflag:s3], $0xC800  }
0x41: {  	[sflag:s3] =	ssyncset.done $0x0  }
0x42: {  	s13 =	smin.u32 s29, $0x18060;
	s12 =	sadd.s32 s31, s12;
	[sflag:s3] =	ssyncadd.s32 $0xFFFF3800  }
0x43: {  	[hbm4b:s12+s2] =	stream.linear.scatter [tilespmem:s2], [sflag:$0x3], $0xC800, $0x38;
	[tilespmem:$0x19000] =	vst v63  }
0x44: {  	s13 =	sshll.u32 s13, $0x5;
	_ =	swait.ge [sflag:s7], $0xC800  }
0x45: {  	s14 =	sadd.s32 $0xAF00, s13;
	[sflag:s7] =	ssyncset.done $0x0  }
0x46: {  	s13 =	sadd.s32 s30, s14;
	[sflag:s7] =	ssyncadd.s32 $0xFFFF3800  }
0x47: {  	[tilespmem:s4], [sflag:$0x2] =	stream.linear.gather [hbm4b:s13+s2], $0xC800, $0x38;
	[tilespmem:$0x19000] =	vst v63  }
0x48: {  	_ =	swait.ge [sflag:s5], $0xC800  }
0x49: {  	[sflag:s5] =	ssyncset.done $0x0  }
0x4a: {  	s15 =	smin.u32 s29, $0x17F98;
	s14 =	sadd.s32 s31, s14;
	[sflag:s5] =	ssyncadd.s32 $0xFFFF3800  }
0x4b: {  	[hbm4b:s14+s2] =	stream.linear.scatter [tilespmem:s4], [sflag:$0x4], $0xC800, $0x38;
	[tilespmem:$0x19000] =	vst v63  }
0x4c: {  	s15 =	sshll.u32 s15, $0x5;
	_ =	swait.ge [sflag:s6], $0xC800  }
0x4d: {  	s16 =	sadd.s32 $0xC800, s15;
	[sflag:s6] =	ssyncset.done $0x0  }
0x4e: {  	s15 =	sadd.s32 s30, s16;
	[sflag:s6] =	ssyncadd.s32 $0xFFFF3800  }
0x4f: {  	[tilespmem:s2], [sflag:$0x1] =	stream.linear.gather [hbm4b:s15+s2], $0xC800, $0x38;
	[tilespmem:$0x19000] =	vst v63  }
0x50: {  	_ =	swait.ge [sflag:s3], $0xC800  }
0x51: {  	[sflag:s3] =	ssyncset.done $0x0  }
0x52: {  	s17 =	smin.u32 s29, $0x17ED0;
	s16 =	sadd.s32 s31, s16;
	[sflag:s3] =	ssyncadd.s32 $0xFFFF3800  }
0x53: {  	[hbm4b:s16+s2] =	stream.linear.scatter [tilespmem:s2], [sflag:$0x3], $0xC800, $0x38;
	[tilespmem:$0x19000] =	vst v63  }
0x54: {  	s17 =	sshll.u32 s17, $0x5;
	_ =	swait.ge [sflag:s7], $0xC800  }
0x55: {  	s18 =	sadd.s32 $0xE100, s17;
	[sflag:s7] =	ssyncset.done $0x0  }
0x56: {  	s17 =	sadd.s32 s30, s18;
	[sflag:s7] =	ssyncadd.s32 $0xFFFF3800  }
0x57: {  	[tilespmem:s4], [sflag:$0x2] =	stream.linear.gather [hbm4b:s17+s2], $0xC800, $0x38;
	[tilespmem:$0x19000] =	vst v63  }
0x58: {  	_ =	swait.ge [sflag:s5], $0xC800  }
0x59: {  	[sflag:s5] =	ssyncset.done $0x0  }
0x5a: {  	s18 =	sadd.s32 s31, s18;
	s19 =	smin.u32 s29, $0x17E08;
	[sflag:s5] =	ssyncadd.s32 $0xFFFF3800  }
0x5b: {  	[hbm4b:s18+s2] =	stream.linear.scatter [tilespmem:s4], [sflag:$0x4], $0xC800, $0x38;
	[tilespmem:$0x19000] =	vst v63  }
0x5c: {  	s19 =	sshll.u32 s19, $0x5;
	_ =	swait.ge [sflag:s6], $0xC800  }
0x5d: {  	s20 =	sadd.s32 $0xFA00, s19;
	[sflag:s6] =	ssyncset.done $0x0  }
0x5e: {  	s19 =	sadd.s32 s30, s20;
	[sflag:s6] =	ssyncadd.s32 $0xFFFF3800  }
0x5f: {  	[tilespmem:s2], [sflag:$0x1] =	stream.linear.gather [hbm4b:s19+s2], $0xC800, $0x38;
	[tilespmem:$0x19000] =	vst v63  }
0x60: {  	_ =	swait.ge [sflag:s3], $0xC800  }
0x61: {  	[sflag:s3] =	ssyncset.done $0x0  }
0x62: {  	s20 =	sadd.s32 s31, s20;
	s21 =	smin.u32 s29, $0x17D40;
	[sflag:s3] =	ssyncadd.s32 $0xFFFF3800  }
0x63: {  	[hbm4b:s20+s2] =	stream.linear.scatter [tilespmem:s2], [sflag:$0x3], $0xC800, $0x38;
	[tilespmem:$0x19000] =	vst v63  }
0x64: {  	s21 =	sshll.u32 s21, $0x5;
	_ =	swait.ge [sflag:s7], $0xC800  }
0x65: {  	s22 =	sadd.s32 $0x11300, s21;
	[sflag:s7] =	ssyncset.done $0x0  }
0x66: {  	s21 =	sadd.s32 s30, s22;
	[sflag:s7] =	ssyncadd.s32 $0xFFFF3800  }
0x67: {  	[tilespmem:s4], [sflag:$0x2] =	stream.linear.gather [hbm4b:s21+s2], $0xC800, $0x38;
	[tilespmem:$0x19000] =	vst v63  }
0x68: {  	_ =	swait.ge [sflag:s5], $0xC800  }
0x69: {  	[sflag:s5] =	ssyncset.done $0x0  }
0x6a: {  	s22 =	sadd.s32 s31, s22;
	s23 =	smin.u32 s29, $0x17C78;
	[sflag:s5] =	ssyncadd.s32 $0xFFFF3800  }
0x6b: {  	[hbm4b:s22+s2] =	stream.linear.scatter [tilespmem:s4], [sflag:$0x4], $0xC800, $0x38;
	[tilespmem:$0x19000] =	vst v63  }
0x6c: {  	s23 =	sshll.u32 s23, $0x5;
	_ =	swait.ge [sflag:s6], $0xC800  }
0x6d: {  	s24 =	sadd.s32 $0x12C00, s23;
	[sflag:s6] =	ssyncset.done $0x0  }
0x6e: {  	s23 =	sadd.s32 s30, s24;
	[sflag:s6] =	ssyncadd.s32 $0xFFFF3800  }
0x6f: {  	[tilespmem:s2], [sflag:$0x1] =	stream.linear.gather [hbm4b:s23+s2], $0xC800, $0x38;
	[tilespmem:$0x19000] =	vst v63  }
0x70: {  	_ =	swait.ge [sflag:s3], $0xC800  }
0x71: {  	[sflag:s3] =	ssyncset.done $0x0  }
0x72: {  	s25 =	smin.u32 s29, $0x17BB0;
	s24 =	sadd.s32 s31, s24;
	[sflag:s3] =	ssyncadd.s32 $0xFFFF3800  }
0x73: {  	[hbm4b:s24+s2] =	stream.linear.scatter [tilespmem:s2], [sflag:$0x3], $0xC800, $0x38;
	[tilespmem:$0x19000] =	vst v63  }
0x74: {  	s25 =	sshll.u32 s25, $0x5;
	_ =	swait.ge [sflag:s7], $0xC800  }
0x75: {  	s26 =	sadd.s32 $0x14500, s25;
	[sflag:s7] =	ssyncset.done $0x0  }
0x76: {  	s25 =	sadd.s32 s30, s26;
	[sflag:s7] =	ssyncadd.s32 $0xFFFF3800  }
0x77: {  	[tilespmem:s4], [sflag:$0x2] =	stream.linear.gather [hbm4b:s25+s2], $0xC800, $0x38;
	[tilespmem:$0x19000] =	vst v63  }
0x78: {  	_ =	swait.ge [sflag:s5], $0xC800  }
0x79: {  	[sflag:s5] =	ssyncset.done $0x0  }
0x7a: {  	s28 =	smin.u32 s29, $0x17AE8;
	s26 =	sadd.s32 s31, s26;
	[sflag:s5] =	ssyncadd.s32 $0xFFFF3800  }
0x7b: {  	[hbm4b:s26+s2] =	stream.linear.scatter [tilespmem:s4], [sflag:$0x4], $0xC800, $0x38;
	[tilespmem:$0x19000] =	vst v63  }
0x7c: {  	s28 =	sshll.u32 s28, $0x5;
	_ =	swait.ge [sflag:s6], $0xC800  }
0x7d: {  	s1 =	sadd.s32 $0x15E00, s28;
	[sflag:s6] =	ssyncset.done $0x0  }
0x7e: {  	s28 =	sadd.s32 s30, s1;
	[sflag:s6] =	ssyncadd.s32 $0xFFFF3800  }
0x7f: {  	[tilespmem:s2], [sflag:$0x1] =	stream.linear.gather [hbm4b:s28+s2], $0xC800, $0x38;
	[tilespmem:$0x19000] =	vst v63  }
0x80: {  	_ =	swait.ge [sflag:s3], $0xC800  }
0x81: {  	[sflag:s3] =	ssyncset.done $0x0  }
0x82: {  	s8 =	smin.u32 s29, $0x17A20;
	s29 =	sadd.s32 s31, s1;
	[sflag:s3] =	ssyncadd.s32 $0xFFFF3800  }
0x83: {  	[hbm4b:s29+s2] =	stream.linear.scatter [tilespmem:s2], [sflag:$0x3], $0xC800, $0x38;
	[tilespmem:$0x19000] =	vst v63  }
0x84: {  	s8 =	sshll.u32 s8, $0x5;
	_ =	swait.ge [sflag:s7], $0xC800  }
0x85: {  	s0 =	sadd.s32 $0x17700, s8;
	[sflag:s7] =	ssyncset.done $0x0  }
0x86: {  	s30 =	sadd.s32 s30, s0;
	[sflag:s7] =	ssyncadd.s32 $0xFFFF3800  }
0x87: {  	[tilespmem:s4], [sflag:$0x2] =	stream.linear.gather [hbm4b:s30+s2], $0xC800, $0x38;
	[tilespmem:$0x19000] =	vst v63  }
0x88: {  	_ =	swait.ge [sflag:s5], $0xC800  }
0x89: {  	[sflag:s5] =	ssyncset.done $0x0;
	s1 =	rddreg [dreg:$0xd]  }
0x8a: {  	s31 =	sadd.s32 s31, s0;
	s0 =	ssub.s32 $0x2, s1;
	[sflag:s5] =	ssyncadd.s32 $0xFFFF3800  }
0x8b: {  	[hbm4b:s31+s2] =	stream.linear.scatter [tilespmem:s4], [sflag:$0x4], $0xC800, $0x38;
	[tilespmem:$0x19000] =	vst v63  }
0x8c: {  	s8 =	sshrl.u32 s0, $0x1  }
0x8d: {  	s0 =	ssub.s32 s0, s8  }
0x8e: {  	s0 =	smax.u32 s0, $0x1  }
0x8f: {  	p0 =	sne.s32 s0, $0x1  }
.Ltmp0:
0x90: {  	_ =	swait.ge [sflag:s6], $0xC800;
	(pc) =	sbr.rel @!p0 .LBB2_2-.Ltmp0, $4  }
0x91: {  	[sflag:s6] =	ssyncset.done $0x0  }
0x92: {  	[sflag:s6] =	ssyncadd.s32 $0xFFFF3800  }
0x93: {  	_ =	swait.ge [sflag:s7], $0xC800  }
0x94: {  	s1 =	sadd.s32 $0xFFFFFFFF, s0;
	[sflag:s7] =	ssyncset.done $0x0  }
.LBB2_1:
0x95: {  	s0 =	rddreg [dreg:$0x3];
	[sflag:s7] =	ssyncadd.s32 $0xFFFF3800  }
0x96: {  	[tilespmem:s2], [sflag:$0x1] =	stream.linear.gather [hbm4b:s0+s2], $0xC800, $0x38;
	[tilespmem:$0x19000] =	vst v63  }
0x97: {  	_ =	swait.ge [sflag:s3], $0xC800  }
0x98: {  	[sflag:s3] =	ssyncset.done $0x0  }
0x99: {  	s0 =	rddreg [dreg:$0x4];
	[sflag:s3] =	ssyncadd.s32 $0xFFFF3800  }
0x9a: {  	[hbm4b:s0+s2] =	stream.linear.scatter [tilespmem:s2], [sflag:$0x3], $0xC800, $0x38;
	[tilespmem:$0x19000] =	vst v63  }
0x9b: {  	s8 =	rddreg [dreg:$0x5]  }
0x9c: {  	[tilespmem:s4], [sflag:$0x2] =	stream.linear.gather [hbm4b:s8+s2], $0xC800, $0x38;
	[tilespmem:$0x19000] =	vst v63  }
0x9d: {  	_ =	swait.ge [sflag:s5], $0xC800  }
0x9e: {  	[sflag:s5] =	ssyncset.done $0x0  }
0x9f: {  	s8 =	rddreg [dreg:$0x6];
	[sflag:s5] =	ssyncadd.s32 $0xFFFF3800  }
0xa0: {  	[hbm4b:s8+s2] =	stream.linear.scatter [tilespmem:s4], [sflag:$0x4], $0xC800, $0x38;
	[tilespmem:$0x19000] =	vst v63  }
0xa1: {  	_ =	swait.ge [sflag:s6], $0xC800  }
0xa2: {  	[sflag:s6] =	ssyncset.done $0x0  }
0xa3: {  	s8 =	rddreg [dreg:$0x7];
	[sflag:s6] =	ssyncadd.s32 $0xFFFF3800  }
0xa4: {  	[tilespmem:s2], [sflag:$0x1] =	stream.linear.gather [hbm4b:s8+s2], $0xC800, $0x38;
	[tilespmem:$0x19000] =	vst v63  }
0xa5: {  	_ =	swait.ge [sflag:s3], $0xC800  }
0xa6: {  	[sflag:s3] =	ssyncset.done $0x0  }
0xa7: {  	s8 =	rddreg [dreg:$0x8];
	[sflag:s3] =	ssyncadd.s32 $0xFFFF3800  }
0xa8: {  	[hbm4b:s8+s2] =	stream.linear.scatter [tilespmem:s2], [sflag:$0x3], $0xC800, $0x38;
	[tilespmem:$0x19000] =	vst v63  }
0xa9: {  	_ =	swait.ge [sflag:s7], $0xC800  }
0xaa: {  	[sflag:s7] =	ssyncset.done $0x0  }
0xab: {  	s8 =	rddreg [dreg:$0x9];
	[sflag:s7] =	ssyncadd.s32 $0xFFFF3800  }
0xac: {  	[tilespmem:s4], [sflag:$0x2] =	stream.linear.gather [hbm4b:s8+s2], $0xC800, $0x38;
	[tilespmem:$0x19000] =	vst v63  }
0xad: {  	_ =	swait.ge [sflag:s5], $0xC800  }
0xae: {  	[sflag:s5] =	ssyncset.done $0x0  }
0xaf: {  	s8 =	rddreg [dreg:$0xa];
	[sflag:s5] =	ssyncadd.s32 $0xFFFF3800  }
0xb0: {  	[hbm4b:s8+s2] =	stream.linear.scatter [tilespmem:s4], [sflag:$0x4], $0xC800, $0x38;
	[tilespmem:$0x19000] =	vst v63  }
0xb1: {  	_ =	swait.ge [sflag:s6], $0xC800  }
0xb2: {  	[sflag:s6] =	ssyncset.done $0x0  }
0xb3: {  	s8 =	rddreg [dreg:$0xb];
	[sflag:s6] =	ssyncadd.s32 $0xFFFF3800  }
0xb4: {  	[tilespmem:s2], [sflag:$0x1] =	stream.linear.gather [hbm4b:s8+s2], $0xC800, $0x38;
	[tilespmem:$0x19000] =	vst v63  }
0xb5: {  	_ =	swait.ge [sflag:s3], $0xC800  }
0xb6: {  	[sflag:s3] =	ssyncset.done $0x0  }
0xb7: {  	s8 =	rddreg [dreg:$0xc];
	[sflag:s3] =	ssyncadd.s32 $0xFFFF3800  }
0xb8: {  	[hbm4b:s8+s2] =	stream.linear.scatter [tilespmem:s2], [sflag:$0x3], $0xC800, $0x38;
	[tilespmem:$0x19000] =	vst v63  }
0xb9: {  	_ =	swait.ge [sflag:s7], $0xC800  }
0xba: {  	[sflag:s7] =	ssyncset.done $0x0  }
0xbb: {  	[sflag:s7] =	ssyncadd.s32 $0xFFFF3800  }
0xbc: {  	[tilespmem:s4], [sflag:$0x2] =	stream.linear.gather [hbm4b:s9+s2], $0xC800, $0x38;
	[tilespmem:$0x19000] =	vst v63  }
0xbd: {  	_ =	swait.ge [sflag:s5], $0xC800  }
0xbe: {  	[sflag:s5] =	ssyncset.done $0x0  }
0xbf: {  	[sflag:s5] =	ssyncadd.s32 $0xFFFF3800  }
0xc0: {  	[hbm4b:s10+s2] =	stream.linear.scatter [tilespmem:s4], [sflag:$0x4], $0xC800, $0x38;
	[tilespmem:$0x19000] =	vst v63  }
0xc1: {  	_ =	swait.ge [sflag:s6], $0xC800  }
0xc2: {  	[sflag:s6] =	ssyncset.done $0x0  }
0xc3: {  	[sflag:s6] =	ssyncadd.s32 $0xFFFF3800  }
0xc4: {  	[tilespmem:s2], [sflag:$0x1] =	stream.linear.gather [hbm4b:s11+s2], $0xC800, $0x38;
	[tilespmem:$0x19000] =	vst v63  }
0xc5: {  	_ =	swait.ge [sflag:s3], $0xC800  }
0xc6: {  	[sflag:s3] =	ssyncset.done $0x0  }
0xc7: {  	[sflag:s3] =	ssyncadd.s32 $0xFFFF3800  }
0xc8: {  	[hbm4b:s12+s2] =	stream.linear.scatter [tilespmem:s2], [sflag:$0x3], $0xC800, $0x38;
	[tilespmem:$0x19000] =	vst v63  }
0xc9: {  	_ =	swait.ge [sflag:s7], $0xC800  }
0xca: {  	[sflag:s7] =	ssyncset.done $0x0  }
0xcb: {  	[sflag:s7] =	ssyncadd.s32 $0xFFFF3800  }
0xcc: {  	[tilespmem:s4], [sflag:$0x2] =	stream.linear.gather [hbm4b:s13+s2], $0xC800, $0x38;
	[tilespmem:$0x19000] =	vst v63  }
0xcd: {  	_ =	swait.ge [sflag:s5], $0xC800  }
0xce: {  	[sflag:s5] =	ssyncset.done $0x0  }
0xcf: {  	[sflag:s5] =	ssyncadd.s32 $0xFFFF3800  }
0xd0: {  	[hbm4b:s14+s2] =	stream.linear.scatter [tilespmem:s4], [sflag:$0x4], $0xC800, $0x38;
	[tilespmem:$0x19000] =	vst v63  }
0xd1: {  	_ =	swait.ge [sflag:s6], $0xC800  }
0xd2: {  	[sflag:s6] =	ssyncset.done $0x0  }
0xd3: {  	[sflag:s6] =	ssyncadd.s32 $0xFFFF3800  }
0xd4: {  	[tilespmem:s2], [sflag:$0x1] =	stream.linear.gather [hbm4b:s15+s2], $0xC800, $0x38;
	[tilespmem:$0x19000] =	vst v63  }
0xd5: {  	_ =	swait.ge [sflag:s3], $0xC800  }
0xd6: {  	[sflag:s3] =	ssyncset.done $0x0  }
0xd7: {  	[sflag:s3] =	ssyncadd.s32 $0xFFFF3800  }
0xd8: {  	[hbm4b:s16+s2] =	stream.linear.scatter [tilespmem:s2], [sflag:$0x3], $0xC800, $0x38;
	[tilespmem:$0x19000] =	vst v63  }
0xd9: {  	_ =	swait.ge [sflag:s7], $0xC800  }
0xda: {  	[sflag:s7] =	ssyncset.done $0x0  }
0xdb: {  	[sflag:s7] =	ssyncadd.s32 $0xFFFF3800  }
0xdc: {  	[tilespmem:s4], [sflag:$0x2] =	stream.linear.gather [hbm4b:s17+s2], $0xC800, $0x38;
	[tilespmem:$0x19000] =	vst v63  }
0xdd: {  	_ =	swait.ge [sflag:s5], $0xC800  }
0xde: {  	[sflag:s5] =	ssyncset.done $0x0  }
0xdf: {  	[sflag:s5] =	ssyncadd.s32 $0xFFFF3800  }
0xe0: {  	[hbm4b:s18+s2] =	stream.linear.scatter [tilespmem:s4], [sflag:$0x4], $0xC800, $0x38;
	[tilespmem:$0x19000] =	vst v63  }
0xe1: {  	_ =	swait.ge [sflag:s6], $0xC800  }
0xe2: {  	[sflag:s6] =	ssyncset.done $0x0  }
0xe3: {  	[sflag:s6] =	ssyncadd.s32 $0xFFFF3800  }
0xe4: {  	[tilespmem:s2], [sflag:$0x1] =	stream.linear.gather [hbm4b:s19+s2], $0xC800, $0x38;
	[tilespmem:$0x19000] =	vst v63  }
0xe5: {  	_ =	swait.ge [sflag:s3], $0xC800  }
0xe6: {  	[sflag:s3] =	ssyncset.done $0x0  }
0xe7: {  	[sflag:s3] =	ssyncadd.s32 $0xFFFF3800  }
0xe8: {  	[hbm4b:s20+s2] =	stream.linear.scatter [tilespmem:s2], [sflag:$0x3], $0xC800, $0x38;
	[tilespmem:$0x19000] =	vst v63  }
0xe9: {  	_ =	swait.ge [sflag:s7], $0xC800  }
0xea: {  	[sflag:s7] =	ssyncset.done $0x0  }
0xeb: {  	[sflag:s7] =	ssyncadd.s32 $0xFFFF3800  }
0xec: {  	[tilespmem:s4], [sflag:$0x2] =	stream.linear.gather [hbm4b:s21+s2], $0xC800, $0x38;
	[tilespmem:$0x19000] =	vst v63  }
0xed: {  	_ =	swait.ge [sflag:s5], $0xC800  }
0xee: {  	[sflag:s5] =	ssyncset.done $0x0  }
0xef: {  	[sflag:s5] =	ssyncadd.s32 $0xFFFF3800  }
0xf0: {  	[hbm4b:s22+s2] =	stream.linear.scatter [tilespmem:s4], [sflag:$0x4], $0xC800, $0x38;
	[tilespmem:$0x19000] =	vst v63  }
0xf1: {  	_ =	swait.ge [sflag:s6], $0xC800  }
0xf2: {  	[sflag:s6] =	ssyncset.done $0x0  }
0xf3: {  	[sflag:s6] =	ssyncadd.s32 $0xFFFF3800  }
0xf4: {  	[tilespmem:s2], [sflag:$0x1] =	stream.linear.gather [hbm4b:s23+s2], $0xC800, $0x38;
	[tilespmem:$0x19000] =	vst v63  }
0xf5: {  	_ =	swait.ge [sflag:s3], $0xC800  }
0xf6: {  	[sflag:s3] =	ssyncset.done $0x0  }
0xf7: {  	[sflag:s3] =	ssyncadd.s32 $0xFFFF3800  }
0xf8: {  	[hbm4b:s24+s2] =	stream.linear.scatter [tilespmem:s2], [sflag:$0x3], $0xC800, $0x38;
	[tilespmem:$0x19000] =	vst v63  }
0xf9: {  	_ =	swait.ge [sflag:s7], $0xC800  }
0xfa: {  	[sflag:s7] =	ssyncset.done $0x0  }
0xfb: {  	[sflag:s7] =	ssyncadd.s32 $0xFFFF3800  }
0xfc: {  	[tilespmem:s4], [sflag:$0x2] =	stream.linear.gather [hbm4b:s25+s2], $0xC800, $0x38;
	[tilespmem:$0x19000] =	vst v63  }
0xfd: {  	_ =	swait.ge [sflag:s5], $0xC800  }
0xfe: {  	[sflag:s5] =	ssyncset.done $0x0  }
0xff: {  	[sflag:s5] =	ssyncadd.s32 $0xFFFF3800  }
0x100: {  	[hbm4b:s26+s2] =	stream.linear.scatter [tilespmem:s4], [sflag:$0x4], $0xC800, $0x38;
	[tilespmem:$0x19000] =	vst v63  }
0x101: {  	_ =	swait.ge [sflag:s6], $0xC800  }
0x102: {  	[sflag:s6] =	ssyncset.done $0x0  }
0x103: {  	[sflag:s6] =	ssyncadd.s32 $0xFFFF3800  }
0x104: {  	[tilespmem:s2], [sflag:$0x1] =	stream.linear.gather [hbm4b:s28+s2], $0xC800, $0x38;
	[tilespmem:$0x19000] =	vst v63  }
0x105: {  	_ =	swait.ge [sflag:s3], $0xC800  }
0x106: {  	[sflag:s3] =	ssyncset.done $0x0  }
0x107: {  	[sflag:s3] =	ssyncadd.s32 $0xFFFF3800  }
0x108: {  	[hbm4b:s29+s2] =	stream.linear.scatter [tilespmem:s2], [sflag:$0x3], $0xC800, $0x38;
	[tilespmem:$0x19000] =	vst v63  }
0x109: {  	_ =	swait.ge [sflag:s7], $0xC800  }
0x10a: {  	[sflag:s7] =	ssyncset.done $0x0  }
0x10b: {  	[sflag:s7] =	ssyncadd.s32 $0xFFFF3800  }
0x10c: {  	[tilespmem:s4], [sflag:$0x2] =	stream.linear.gather [hbm4b:s30+s2], $0xC800, $0x38;
	[tilespmem:$0x19000] =	vst v63  }
0x10d: {  	_ =	swait.ge [sflag:s5], $0xC800  }
0x10e: {  	[sflag:s5] =	ssyncset.done $0x0  }
0x10f: {  	p0 =	sne.s32 s1, $0x1;
	[sflag:s5] =	ssyncadd.s32 $0xFFFF3800  }
0x110: {  	[hbm4b:s31+s2] =	stream.linear.scatter [tilespmem:s4], [sflag:$0x4], $0xC800, $0x38;
	[tilespmem:$0x19000] =	vst v63  }
.Ltmp1:
0x111: {  	_ =	swait.ge [sflag:s6], $0xC800;
	(pc) =	sbr.rel @p0 .LBB2_1-.Ltmp1, $4  }
0x112: {  	[sflag:s6] =	ssyncset.done $0x0  }
0x113: {  	[sflag:s6] =	ssyncadd.s32 $0xFFFF3800  }
0x114: {  	_ =	swait.ge [sflag:s7], $0xC800  }
0x115: {  	s1 =	sadd.s32 $0xFFFFFFFF, s1;
	[sflag:s7] =	ssyncset.done $0x0  }
.LBB2_2:
0x116: {  	[sflag:s7] =	ssyncadd.s32 $0xFFFF3800  }
0x117: {  	_ =	sfence.sel $0x180000  }
0x118: {  	[bflag:$0x0] =	sbarrier.arrive $0xFFFF  }
0x119: {  	_ =	strace $0x90000047  }
0x11a: {  	s0 =	stileid.u32;
	[bflag:$0x2] =	sbarrier.arrive $0xFFFF  }
0x11b: {  	p0 =	sne.s32 s0, $0x0;
	s0 =	rddreg [dreg:$0x2]  }
0x11c: {  	s0 =	sadd.s32 @!p0 $0x100000, s0  }
0x11d: {  	[sflag:s0] =	ssyncadd.tile.s32 @!p0 $0x1;
	_ =	shalt  }
.Lfunc_end2:
_tile_overlayer_lowered:
.L_overlay_start_2:
0x11e: {  	(tag) =	ssettag $0x2  }
0x11f: {  	s0 =	rddreg [dreg:$0x0];
	s2 =	stileid.u32  }
0x120: {  	s1 =	rddreg [dreg:$0x1];
	p0 =	sne.s32 s2, $0x0  }
0x121: {  	s3 =	rddreg [dreg:$0x2];
	[bflag:$0x3] =	sbarrier.arrive $0xFFFF;
	s2 =	simm.s32 @!p0 $0x1C05  }
0x122: {  	[timem:s3], [sflag:s2] =	dma.local @!p0 [hbm:s0], s1  }
0x123: {  	s0 =	simm.s32 @!p0 $0x5  }
0x124: {  	_ =	swait.ge @!p0 [sflag:s0], s1  }
0x125: {  	s1 =	ssub.s32 @!p0 $0x0, s1;
	[sflag:s0] =	ssyncset.done @!p0 $0x0  }
0x126: {  	[sflag:s0] =	ssyncadd.s32 @!p0 s1  }
0x127: {  	[bflag:$0x3] =	sbarrier.arrive $0xFFFF  }
0x128: {  	_ =	shalt  }

</sc_bundles>
